<compile_context>
chip_gen: v7x
topology: tpu7x:2x2x1
jax: 0.10.2.dev20260603
libtpu: 0.0.44.dev20260713+nightly
codegen_flags: <defaults>
</compile_context>

<pallas_src>
import functools

import jax
import jax.numpy as jnp
from jax import lax
from jax.experimental import pallas as pl
from jax.experimental.pallas import tpu as pltpu
from jax.experimental.pallas import tpu_sc as plsc

B = 16384
L = 200
D = 32
NUM_CLASSES = 10

_info = plsc.get_sparse_core_info()
NC, NS = _info.num_cores, _info.num_subcores
NW = NC * NS
BPW = B // NW
R = 4
NCHUNK = BPW // R
IDXC = R * L


def _reduce_chunk(rows, outst, c):
    for r in range(R):
        def inner(j, accs, r=r):
            a0, a1, a2, a3, a4, a5, a6, a7 = accs
            p = r * L + 4 * j
            a0 = a0 + rows[p, pl.ds(0, 16)]
            a1 = a1 + rows[p, pl.ds(16, 16)]
            a2 = a2 + rows[p + 1, pl.ds(0, 16)]
            a3 = a3 + rows[p + 1, pl.ds(16, 16)]
            a4 = a4 + rows[p + 2, pl.ds(0, 16)]
            a5 = a5 + rows[p + 2, pl.ds(16, 16)]
            a6 = a6 + rows[p + 3, pl.ds(0, 16)]
            a7 = a7 + rows[p + 3, pl.ds(16, 16)]
            return (a0, a1, a2, a3, a4, a5, a6, a7)

        z = jnp.zeros((16,), jnp.float32)
        accs = lax.fori_loop(0, L // 4, inner, (z,) * 8)
        lo = (accs[0] + accs[2]) + (accs[4] + accs[6])
        hi = (accs[1] + accs[3]) + (accs[5] + accs[7])
        row = c * R + r
        outst[row, pl.ds(0, 16)] = lo
        outst[row, pl.ds(16, 16)] = hi


@functools.partial(
    pl.kernel,
    out_type=jax.ShapeDtypeStruct((B, D), jnp.float32),
    mesh=plsc.VectorSubcoreMesh(core_axis_name="c", subcore_axis_name="s"),
    compiler_params=pltpu.CompilerParams(use_tc_tiling_on_sc=False),
    scratch_types=[
        pltpu.VMEM((IDXC,), jnp.int32),
        pltpu.VMEM((IDXC,), jnp.int32),
        pltpu.VMEM((IDXC, D), jnp.float32),
        pltpu.VMEM((IDXC, D), jnp.float32),
        pltpu.VMEM((BPW, D), jnp.float32),
        pltpu.SemaphoreType.DMA,
        pltpu.SemaphoreType.DMA,
    ],
)
def _sc_pool(x_hbm, emb_hbm, out_hbm, idx_a, idx_b, rows_a, rows_b, outst,
             sem_a, sem_b):
    wid = lax.axis_index("s") * NC + lax.axis_index("c")
    base = wid * BPW
    flat0 = base * L

    pltpu.sync_copy(x_hbm.at[pl.ds(flat0, IDXC)], idx_a)
    pltpu.async_copy(emb_hbm.at[idx_a], rows_a, sem_a)

    def body2(i, carry):
        c0 = 2 * i
        pltpu.sync_copy(x_hbm.at[pl.ds(flat0 + (c0 + 1) * IDXC, IDXC)], idx_b)
        pltpu.async_copy(emb_hbm.at[idx_b], rows_b, sem_b)
        pltpu.make_async_copy(emb_hbm.at[idx_a], rows_a, sem_a).wait()
        _reduce_chunk(rows_a, outst, c0)
        @pl.when(i < NCHUNK // 2 - 1)
        def _():
            pltpu.sync_copy(
                x_hbm.at[pl.ds(flat0 + (c0 + 2) * IDXC, IDXC)], idx_a)
            pltpu.async_copy(emb_hbm.at[idx_a], rows_a, sem_a)
        pltpu.make_async_copy(emb_hbm.at[idx_b], rows_b, sem_b).wait()
        _reduce_chunk(rows_b, outst, c0 + 1)
        return carry

    lax.fori_loop(0, NCHUNK // 2, body2, 0)
    pltpu.sync_copy(outst, out_hbm.at[pl.ds(base, BPW)])


def _tc_head(p_ref, wt_ref, b_ref, o_ref):
    p = p_ref[...] * (1.0 / L)
    z = lax.dot_general(p, wt_ref[...], (((1,), (0,)), ((), ())),
                        preferred_element_type=jnp.float32)
    z = z + b_ref[...]
    z = z - jnp.max(z, axis=1, keepdims=True)
    e = jnp.exp(z)
    o_ref[...] = e / jnp.sum(e, axis=1, keepdims=True)


def kernel(x, emb, W, b):
    pooled_sum = _sc_pool(x.reshape(-1), emb)
    blk = 2048
    y = pl.pallas_call(
        _tc_head,
        grid=(B // blk,),
        in_specs=[
            pl.BlockSpec((blk, D), lambda i: (i, 0)),
            pl.BlockSpec((D, NUM_CLASSES), lambda i: (0, 0)),
            pl.BlockSpec((1, NUM_CLASSES), lambda i: (0, 0)),
        ],
        out_specs=pl.BlockSpec((blk, NUM_CLASSES), lambda i: (i, 0)),
        out_shape=jax.ShapeDtypeStruct((B, NUM_CLASSES), jnp.float32),
    )(pooled_sum, W.T, b.reshape(1, NUM_CLASSES))
    return y

# --- scband reference (transcript-rebuilt; emitter-appended) ---
"""Pipeline reference for scband-my-model-26637387170234 (READ-ONLY COPY).

The authoritative reference and input builder live on the scoring server;
editing this copy changes nothing except your own understanding.
"""

import jax, jax.numpy as jnp
import numpy as np

VOCAB = 1000000
WORD_DIM = 32
SENT_LEN = 200
BATCH = 16384
NUM_CLASSES = 10


def setup_inputs(seed: int = 0) -> dict:
    key = jax.random.key(seed)
    k1, k2, k3, k4 = jax.random.split(key, 4)
    x = jax.random.randint(k1, (BATCH, SENT_LEN), 0, VOCAB, dtype=jnp.int64 if jax.config.jax_enable_x64 else jnp.int32).astype(jnp.int32)
    emb = jax.random.normal(k2, (VOCAB, WORD_DIM), dtype=jnp.float32)
    # nn.Linear(word_dim, 10): weight [10, word_dim], bias [10]
    W = jax.random.normal(k3, (NUM_CLASSES, WORD_DIM), dtype=jnp.float32) * (1.0 / np.sqrt(WORD_DIM))
    b = jax.random.normal(k4, (NUM_CLASSES,), dtype=jnp.float32) * (1.0 / np.sqrt(WORD_DIM))
    return {"x": x, "emb": emb, "W": W, "b": b}


def reference(x, emb, W, b):
    # embedding lookup (gather)
    e = jnp.take(emb, x, axis=0)              # [B, L, D]
    # AvgPool1d over sequence dim after transpose(1,2) == mean over L, then squeeze
    pooled = jnp.mean(e, axis=1)              # [B, D]
    # linear
    logits = pooled @ W.T + b                 # [B, 10]
    # softmax(dim=1)
    y_pred = jax.nn.softmax(logits, axis=1)
    return y_pred

if __name__ == "__main__":
    import jax
    _d = setup_inputs()
    print(jax.jit(kernel)(*tuple(_d.values())))

</pallas_src>

<mosaic_0001>
#map = affine_map<(d0, d1) -> (0)>
#map1 = affine_map<(d0, d1) -> (0, 0)>
module attributes {stable_mosaic.version = 14 : i64} {
  func.func @_sc_pool(%arg0: i32, %arg1: i32, %arg2: memref<3276800xi32, #tpu.memory_space<hbm>>, %arg3: memref<1000000x32xf32, #tpu.memory_space<hbm>>, %arg4: memref<16384x32xf32, #tpu.memory_space<hbm>>, %arg5: memref<800xi32, #tpu.memory_space<vmem>>, %arg6: memref<800xi32, #tpu.memory_space<vmem>>, %arg7: memref<800x32xf32, #tpu.memory_space<vmem>>, %arg8: memref<800x32xf32, #tpu.memory_space<vmem>>, %arg9: memref<512x32xf32, #tpu.memory_space<vmem>>, %arg10: memref<!tpu.dma_semaphore, #tpu.memory_space<semaphore_mem>>, %arg11: memref<!tpu.dma_semaphore, #tpu.memory_space<semaphore_mem>>) attributes {dimension_semantics = [#tpu.dimension_semantics<core_parallel>, #tpu.dimension_semantics<subcore_parallel>], iteration_bounds = array<i64: 2, 16>, scalar_prefetch = 0 : i64, scratch_operands = 7 : i64, tpu.core_type = #tpu.core_type<sc_vector_subcore>, window_params = [{transform_indices = #map}, {transform_indices = #map1}, {transform_indices = #map1}]} {
    %mul3A = arith.constant 2 : i32
    %mul3A_0 = arith.muli %arg1, %mul3A : i32
    %add3A = arith.addi %mul3A_0, %arg0 : i32
    %mul3A_1 = arith.constant 512 : i32
    %mul3A_2 = arith.muli %add3A, %mul3A_1 : i32
    %mul3A_3 = arith.constant 200 : i32
    %mul3A_4 = arith.muli %mul3A_2, %mul3A_3 : i32
    "tpu.region"() ({
      %run_scoped3A = tpu.sem_alloc : memref<!tpu.dma_semaphore, #tpu.memory_space<semaphore_mem>>
      %dma_start3A_12 = tpu.memref_slice %arg2[%mul3A_4] : memref<3276800xi32, #tpu.memory_space<hbm>> -> memref<800xi32, #tpu.memory_space<hbm>>
      %dma_start3A_13 = tpu.memref_slice %arg2[%mul3A_4] : memref<3276800xi32, #tpu.memory_space<hbm>> -> memref<800xi32, #tpu.memory_space<hbm>>
      tpu.enqueue_dma source(%dma_start3A_13 : memref<800xi32, #tpu.memory_space<hbm>>) target(%arg5 : memref<800xi32, #tpu.memory_space<vmem>>) target_semaphore(%run_scoped3A : memref<!tpu.dma_semaphore, #tpu.memory_space<semaphore_mem>>)
      %dma_wait3A = tpu.memref_slice %arg2[%mul3A_4] : memref<3276800xi32, #tpu.memory_space<hbm>> -> memref<800xi32, #tpu.memory_space<hbm>>
      %dma_wait3A_14 = tpu.memref_slice %arg2[%mul3A_4] : memref<3276800xi32, #tpu.memory_space<hbm>> -> memref<800xi32, #tpu.memory_space<hbm>>
      tpu.wait_dma2 semaphore(%run_scoped3A : memref<!tpu.dma_semaphore, #tpu.memory_space<semaphore_mem>>) src(%dma_wait3A_14 : memref<800xi32, #tpu.memory_space<hbm>>) dst(%arg5 : memref<800xi32, #tpu.memory_space<vmem>>)
      tpu.yield
    }) : () -> ()
    %dma_start3A = arith.constant 0 : i32
    %dma_start3A_5 = arith.constant 0 : i32
    %dma_start3A_6 = tpu.memref_slice %arg3[%dma_start3A, %dma_start3A_5] : memref<1000000x32xf32, #tpu.memory_space<hbm>> -> memref<1000000x32xf32, #tpu.memory_space<hbm>>
    tpu.enqueue_indirect_dma source(%dma_start3A_6 : memref<1000000x32xf32, #tpu.memory_space<hbm>>) target(%arg7 : memref<800x32xf32, #tpu.memory_space<vmem>>) offsets(%arg5 : memref<800xi32, #tpu.memory_space<vmem>>) semaphore(%arg10 : memref<!tpu.dma_semaphore, #tpu.memory_space<semaphore_mem>>)
    %scan3A = arith.constant 0 : i32
    %scan3A_7 = arith.constant 0 : i32
    %scan3A_8 = arith.constant 64 : i32
    %scan3A_9 = arith.addi %scan3A_7, %scan3A_8 : i32
    %scan3A_10 = arith.constant 1 : i32
    scf.for %scan3A_12 = %scan3A_7 to %scan3A_9 step %scan3A_10  : i32 {
      %mul3A_13 = arith.constant 2 : i32
      %mul3A_14 = arith.muli %mul3A_13, %scan3A_12 : i32
      %add3A_15 = arith.constant 1 : i32
      %add3A_16 = arith.addi %mul3A_14, %add3A_15 : i32
      %mul3A_17 = arith.constant 800 : i32
      %mul3A_18 = arith.muli %add3A_16, %mul3A_17 : i32
      %add3A_19 = arith.addi %mul3A_4, %mul3A_18 : i32
      "tpu.region"() ({
        %run_scoped3A = tpu.sem_alloc : memref<!tpu.dma_semaphore, #tpu.memory_space<semaphore_mem>>
        %dma_start3A_254 = tpu.memref_slice %arg2[%add3A_19] : memref<3276800xi32, #tpu.memory_space<hbm>> -> memref<800xi32, #tpu.memory_space<hbm>>
        %dma_start3A_255 = tpu.memref_slice %arg2[%add3A_19] : memref<3276800xi32, #tpu.memory_space<hbm>> -> memref<800xi32, #tpu.memory_space<hbm>>
        tpu.enqueue_dma source(%dma_start3A_255 : memref<800xi32, #tpu.memory_space<hbm>>) target(%arg6 : memref<800xi32, #tpu.memory_space<vmem>>) target_semaphore(%run_scoped3A : memref<!tpu.dma_semaphore, #tpu.memory_space<semaphore_mem>>)
        %dma_wait3A_256 = tpu.memref_slice %arg2[%add3A_19] : memref<3276800xi32, #tpu.memory_space<hbm>> -> memref<800xi32, #tpu.memory_space<hbm>>
        %dma_wait3A_257 = tpu.memref_slice %arg2[%add3A_19] : memref<3276800xi32, #tpu.memory_space<hbm>> -> memref<800xi32, #tpu.memory_space<hbm>>
        tpu.wait_dma2 semaphore(%run_scoped3A : memref<!tpu.dma_semaphore, #tpu.memory_space<semaphore_mem>>) src(%dma_wait3A_257 : memref<800xi32, #tpu.memory_space<hbm>>) dst(%arg6 : memref<800xi32, #tpu.memory_space<vmem>>)
        tpu.yield
      }) : () -> ()
      %dma_start3A_20 = arith.constant 0 : i32
      %dma_start3A_21 = arith.constant 0 : i32
      %dma_start3A_22 = tpu.memref_slice %arg3[%dma_start3A_20, %dma_start3A_21] : memref<1000000x32xf32, #tpu.memory_space<hbm>> -> memref<1000000x32xf32, #tpu.memory_space<hbm>>
      tpu.enqueue_indirect_dma source(%dma_start3A_22 : memref<1000000x32xf32, #tpu.memory_space<hbm>>) target(%arg8 : memref<800x32xf32, #tpu.memory_space<vmem>>) offsets(%arg6 : memref<800xi32, #tpu.memory_space<vmem>>) semaphore(%arg11 : memref<!tpu.dma_semaphore, #tpu.memory_space<semaphore_mem>>)
      %dma_wait3A = arith.constant 0 : i32
      %dma_wait3A_23 = arith.constant 0 : i32
      %dma_wait3A_24 = tpu.memref_slice %arg3[%dma_wait3A, %dma_wait3A_23] : memref<1000000x32xf32, #tpu.memory_space<hbm>> -> memref<1000000x32xf32, #tpu.memory_space<hbm>>
      tpu.wait_indirect_dma semaphore(%arg10 : memref<!tpu.dma_semaphore, #tpu.memory_space<semaphore_mem>>) src(%dma_wait3A_24 : memref<1000000x32xf32, #tpu.memory_space<hbm>>) dst(%arg7 : memref<800x32xf32, #tpu.memory_space<vmem>>)
      %broadcast_in_dim3A = arith.constant 0.000000e+00 : f32
      %broadcast_in_dim3A_25 = vector.broadcast %broadcast_in_dim3A : f32 to vector<16xf32>
      %scan3A_26 = arith.constant 0 : i32
      %scan3A_27 = arith.constant 50 : i32
      %scan3A_28 = arith.addi %scan3A_26, %scan3A_27 : i32
      %scan3A_29 = arith.constant 1 : i32
      %scan3A_30:8 = scf.for %scan3A_254 = %scan3A_26 to %scan3A_28 step %scan3A_29 iter_args(%scan3A_255 = %broadcast_in_dim3A_25, %scan3A_256 = %broadcast_in_dim3A_25, %scan3A_257 = %broadcast_in_dim3A_25, %scan3A_258 = %broadcast_in_dim3A_25, %scan3A_259 = %broadcast_in_dim3A_25, %scan3A_260 = %broadcast_in_dim3A_25, %scan3A_261 = %broadcast_in_dim3A_25, %scan3A_262 = %broadcast_in_dim3A_25) -> (vector<16xf32>, vector<16xf32>, vector<16xf32>, vector<16xf32>, vector<16xf32>, vector<16xf32>, vector<16xf32>, vector<16xf32>)  : i32 {
        %mul3A_263 = arith.constant 4 : i32
        %mul3A_264 = arith.muli %mul3A_263, %scan3A_254 : i32
        %add3A_265 = arith.constant 0 : i32
        %add3A_266 = arith.addi %add3A_265, %mul3A_264 : i32
        %get3A = arith.index_cast %add3A_266 : i32 to index
        %get3A_267 = arith.constant 0 : index
        %get3A_268 = tpu.vector_load %arg7[%get3A, %get3A_267] {strides = array<i32>} : memref<800x32xf32, #tpu.memory_space<vmem>>, vector<1x16xf32>,
        %get3A_269 = vector.shape_cast %get3A_268 : vector<1x16xf32> to vector<16xf32>
        %add3A_270 = arith.addf %scan3A_255, %get3A_269 : vector<16xf32>
        %get3A_271 = arith.index_cast %add3A_266 : i32 to index
        %get3A_272 = arith.constant 16 : index
        %get3A_273 = tpu.vector_load %arg7[%get3A_271, %get3A_272] {strides = array<i32>} : memref<800x32xf32, #tpu.memory_space<vmem>>, vector<1x16xf32>,
        %get3A_274 = vector.shape_cast %get3A_273 : vector<1x16xf32> to vector<16xf32>
        %add3A_275 = arith.addf %scan3A_256, %get3A_274 : vector<16xf32>
        %add3A_276 = arith.constant 1 : i32
        %add3A_277 = arith.addi %add3A_266, %add3A_276 : i32
        %get3A_278 = arith.index_cast %add3A_277 : i32 to index
        %get3A_279 = arith.constant 0 : index
        %get3A_280 = tpu.vector_load %arg7[%get3A_278, %get3A_279] {strides = array<i32>} : memref<800x32xf32, #tpu.memory_space<vmem>>, vector<1x16xf32>,
        %get3A_281 = vector.shape_cast %get3A_280 : vector<1x16xf32> to vector<16xf32>
        %add3A_282 = arith.addf %scan3A_257, %get3A_281 : vector<16xf32>
        %add3A_283 = arith.constant 1 : i32
        %add3A_284 = arith.addi %add3A_266, %add3A_283 : i32
        %get3A_285 = arith.index_cast %add3A_284 : i32 to index
        %get3A_286 = arith.constant 16 : index
        %get3A_287 = tpu.vector_load %arg7[%get3A_285, %get3A_286] {strides = array<i32>} : memref<800x32xf32, #tpu.memory_space<vmem>>, vector<1x16xf32>,
        %get3A_288 = vector.shape_cast %get3A_287 : vector<1x16xf32> to vector<16xf32>
        %add3A_289 = arith.addf %scan3A_258, %get3A_288 : vector<16xf32>
        %add3A_290 = arith.constant 2 : i32
        %add3A_291 = arith.addi %add3A_266, %add3A_290 : i32
        %get3A_292 = arith.index_cast %add3A_291 : i32 to index
        %get3A_293 = arith.constant 0 : index
        %get3A_294 = tpu.vector_load %arg7[%get3A_292, %get3A_293] {strides = array<i32>} : memref<800x32xf32, #tpu.memory_space<vmem>>, vector<1x16xf32>,
        %get3A_295 = vector.shape_cast %get3A_294 : vector<1x16xf32> to vector<16xf32>
        %add3A_296 = arith.addf %scan3A_259, %get3A_295 : vector<16xf32>
        %add3A_297 = arith.constant 2 : i32
        %add3A_298 = arith.addi %add3A_266, %add3A_297 : i32
        %get3A_299 = arith.index_cast %add3A_298 : i32 to index
        %get3A_300 = arith.constant 16 : index
        %get3A_301 = tpu.vector_load %arg7[%get3A_299, %get3A_300] {strides = array<i32>} : memref<800x32xf32, #tpu.memory_space<vmem>>, vector<1x16xf32>,
        %get3A_302 = vector.shape_cast %get3A_301 : vector<1x16xf32> to vector<16xf32>
        %add3A_303 = arith.addf %scan3A_260, %get3A_302 : vector<16xf32>
        %add3A_304 = arith.constant 3 : i32
        %add3A_305 = arith.addi %add3A_266, %add3A_304 : i32
        %get3A_306 = arith.index_cast %add3A_305 : i32 to index
        %get3A_307 = arith.constant 0 : index
        %get3A_308 = tpu.vector_load %arg7[%get3A_306, %get3A_307] {strides = array<i32>} : memref<800x32xf32, #tpu.memory_space<vmem>>, vector<1x16xf32>,
        %get3A_309 = vector.shape_cast %get3A_308 : vector<1x16xf32> to vector<16xf32>
        %add3A_310 = arith.addf %scan3A_261, %get3A_309 : vector<16xf32>
        %add3A_311 = arith.constant 3 : i32
        %add3A_312 = arith.addi %add3A_266, %add3A_311 : i32
        %get3A_313 = arith.index_cast %add3A_312 : i32 to index
        %get3A_314 = arith.constant 16 : index
        %get3A_315 = tpu.vector_load %arg7[%get3A_313, %get3A_314] {strides = array<i32>} : memref<800x32xf32, #tpu.memory_space<vmem>>, vector<1x16xf32>,
        %get3A_316 = vector.shape_cast %get3A_315 : vector<1x16xf32> to vector<16xf32>
        %add3A_317 = arith.addf %scan3A_262, %get3A_316 : vector<16xf32>
        scf.yield %add3A_270, %add3A_275, %add3A_282, %add3A_289, %add3A_296, %add3A_303, %add3A_310, %add3A_317 : vector<16xf32>, vector<16xf32>, vector<16xf32>, vector<16xf32>, vector<16xf32>, vector<16xf32>, vector<16xf32>, vector<16xf32>
      }
      %scan3A_31 = arith.constant 50 : i32
      %add3A_32 = arith.addf %scan3A_30#0, %scan3A_30#2 : vector<16xf32>
      %add3A_33 = arith.addf %scan3A_30#4, %scan3A_30#6 : vector<16xf32>
      %add3A_34 = arith.addf %add3A_32, %add3A_33 : vector<16xf32>
      %add3A_35 = arith.addf %scan3A_30#1, %scan3A_30#3 : vector<16xf32>
      %add3A_36 = arith.addf %scan3A_30#5, %scan3A_30#7 : vector<16xf32>
      %add3A_37 = arith.addf %add3A_35, %add3A_36 : vector<16xf32>
      %mul3A_38 = arith.constant 4 : i32
      %mul3A_39 = arith.muli %mul3A_14, %mul3A_38 : i32
      %add3A_40 = arith.constant 0 : i32
      %add3A_41 = arith.addi %mul3A_39, %add3A_40 : i32
      %swap3A = arith.index_cast %add3A_41 : i32 to index
      %swap3A_42 = arith.constant 0 : index
      %swap3A_43 = tpu.vector_load %arg9[%swap3A, %swap3A_42] {strides = array<i32>} : memref<512x32xf32, #tpu.memory_space<vmem>>, vector<1x16xf32>,
      %swap3A_44 = vector.shape_cast %swap3A_43 : vector<1x16xf32> to vector<16xf32>
      %swap3A_45 = vector.shape_cast %add3A_34 : vector<16xf32> to vector<1x16xf32>
      tpu.vector_store %arg9[%swap3A, %swap3A_42], %swap3A_45 {strides = array<i32>} : memref<512x32xf32, #tpu.memory_space<vmem>>, vector<1x16xf32>,
      %swap3A_46 = arith.index_cast %add3A_41 : i32 to index
      %swap3A_47 = arith.constant 16 : index
      %swap3A_48 = tpu.vector_load %arg9[%swap3A_46, %swap3A_47] {strides = array<i32>} : memref<512x32xf32, #tpu.memory_space<vmem>>, vector<1x16xf32>,
      %swap3A_49 = vector.shape_cast %swap3A_48 : vector<1x16xf32> to vector<16xf32>
      %swap3A_50 = vector.shape_cast %add3A_37 : vector<16xf32> to vector<1x16xf32>
      tpu.vector_store %arg9[%swap3A_46, %swap3A_47], %swap3A_50 {strides = array<i32>} : memref<512x32xf32, #tpu.memory_space<vmem>>, vector<1x16xf32>,
      %broadcast_in_dim3A_51 = arith.constant 0.000000e+00 : f32
      %broadcast_in_dim3A_52 = vector.broadcast %broadcast_in_dim3A_51 : f32 to vector<16xf32>
      %scan3A_53 = arith.constant 0 : i32
      %scan3A_54 = arith.constant 50 : i32
      %scan3A_55 = arith.addi %scan3A_53, %scan3A_54 : i32
      %scan3A_56 = arith.constant 1 : i32
      %scan3A_57:8 = scf.for %scan3A_254 = %scan3A_53 to %scan3A_55 step %scan3A_56 iter_args(%scan3A_255 = %broadcast_in_dim3A_52, %scan3A_256 = %broadcast_in_dim3A_52, %scan3A_257 = %broadcast_in_dim3A_52, %scan3A_258 = %broadcast_in_dim3A_52, %scan3A_259 = %broadcast_in_dim3A_52, %scan3A_260 = %broadcast_in_dim3A_52, %scan3A_261 = %broadcast_in_dim3A_52, %scan3A_262 = %broadcast_in_dim3A_52) -> (vector<16xf32>, vector<16xf32>, vector<16xf32>, vector<16xf32>, vector<16xf32>, vector<16xf32>, vector<16xf32>, vector<16xf32>)  : i32 {
        %mul3A_263 = arith.constant 4 : i32
        %mul3A_264 = arith.muli %mul3A_263, %scan3A_254 : i32
        %add3A_265 = arith.constant 200 : i32
        %add3A_266 = arith.addi %add3A_265, %mul3A_264 : i32
        %get3A = arith.index_cast %add3A_266 : i32 to index
        %get3A_267 = arith.constant 0 : index
        %get3A_268 = tpu.vector_load %arg7[%get3A, %get3A_267] {strides = array<i32>} : memref<800x32xf32, #tpu.memory_space<vmem>>, vector<1x16xf32>,
        %get3A_269 = vector.shape_cast %get3A_268 : vector<1x16xf32> to vector<16xf32>
        %add3A_270 = arith.addf %scan3A_255, %get3A_269 : vector<16xf32>
        %get3A_271 = arith.index_cast %add3A_266 : i32 to index
        %get3A_272 = arith.constant 16 : index
        %get3A_273 = tpu.vector_load %arg7[%get3A_271, %get3A_272] {strides = array<i32>} : memref<800x32xf32, #tpu.memory_space<vmem>>, vector<1x16xf32>,
        %get3A_274 = vector.shape_cast %get3A_273 : vector<1x16xf32> to vector<16xf32>
        %add3A_275 = arith.addf %scan3A_256, %get3A_274 : vector<16xf32>
        %add3A_276 = arith.constant 1 : i32
        %add3A_277 = arith.addi %add3A_266, %add3A_276 : i32
        %get3A_278 = arith.index_cast %add3A_277 : i32 to index
        %get3A_279 = arith.constant 0 : index
        %get3A_280 = tpu.vector_load %arg7[%get3A_278, %get3A_279] {strides = array<i32>} : memref<800x32xf32, #tpu.memory_space<vmem>>, vector<1x16xf32>,
        %get3A_281 = vector.shape_cast %get3A_280 : vector<1x16xf32> to vector<16xf32>
        %add3A_282 = arith.addf %scan3A_257, %get3A_281 : vector<16xf32>
        %add3A_283 = arith.constant 1 : i32
        %add3A_284 = arith.addi %add3A_266, %add3A_283 : i32
        %get3A_285 = arith.index_cast %add3A_284 : i32 to index
        %get3A_286 = arith.constant 16 : index
        %get3A_287 = tpu.vector_load %arg7[%get3A_285, %get3A_286] {strides = array<i32>} : memref<800x32xf32, #tpu.memory_space<vmem>>, vector<1x16xf32>,
        %get3A_288 = vector.shape_cast %get3A_287 : vector<1x16xf32> to vector<16xf32>
        %add3A_289 = arith.addf %scan3A_258, %get3A_288 : vector<16xf32>
        %add3A_290 = arith.constant 2 : i32
        %add3A_291 = arith.addi %add3A_266, %add3A_290 : i32
        %get3A_292 = arith.index_cast %add3A_291 : i32 to index
        %get3A_293 = arith.constant 0 : index
        %get3A_294 = tpu.vector_load %arg7[%get3A_292, %get3A_293] {strides = array<i32>} : memref<800x32xf32, #tpu.memory_space<vmem>>, vector<1x16xf32>,
        %get3A_295 = vector.shape_cast %get3A_294 : vector<1x16xf32> to vector<16xf32>
        %add3A_296 = arith.addf %scan3A_259, %get3A_295 : vector<16xf32>
        %add3A_297 = arith.constant 2 : i32
        %add3A_298 = arith.addi %add3A_266, %add3A_297 : i32
        %get3A_299 = arith.index_cast %add3A_298 : i32 to index
        %get3A_300 = arith.constant 16 : index
        %get3A_301 = tpu.vector_load %arg7[%get3A_299, %get3A_300] {strides = array<i32>} : memref<800x32xf32, #tpu.memory_space<vmem>>, vector<1x16xf32>,
        %get3A_302 = vector.shape_cast %get3A_301 : vector<1x16xf32> to vector<16xf32>
        %add3A_303 = arith.addf %scan3A_260, %get3A_302 : vector<16xf32>
        %add3A_304 = arith.constant 3 : i32
        %add3A_305 = arith.addi %add3A_266, %add3A_304 : i32
        %get3A_306 = arith.index_cast %add3A_305 : i32 to index
        %get3A_307 = arith.constant 0 : index
        %get3A_308 = tpu.vector_load %arg7[%get3A_306, %get3A_307] {strides = array<i32>} : memref<800x32xf32, #tpu.memory_space<vmem>>, vector<1x16xf32>,
        %get3A_309 = vector.shape_cast %get3A_308 : vector<1x16xf32> to vector<16xf32>
        %add3A_310 = arith.addf %scan3A_261, %get3A_309 : vector<16xf32>
        %add3A_311 = arith.constant 3 : i32
        %add3A_312 = arith.addi %add3A_266, %add3A_311 : i32
        %get3A_313 = arith.index_cast %add3A_312 : i32 to index
        %get3A_314 = arith.constant 16 : index
        %get3A_315 = tpu.vector_load %arg7[%get3A_313, %get3A_314] {strides = array<i32>} : memref<800x32xf32, #tpu.memory_space<vmem>>, vector<1x16xf32>,
        %get3A_316 = vector.shape_cast %get3A_315 : vector<1x16xf32> to vector<16xf32>
        %add3A_317 = arith.addf %scan3A_262, %get3A_316 : vector<16xf32>
        scf.yield %add3A_270, %add3A_275, %add3A_282, %add3A_289, %add3A_296, %add3A_303, %add3A_310, %add3A_317 : vector<16xf32>, vector<16xf32>, vector<16xf32>, vector<16xf32>, vector<16xf32>, vector<16xf32>, vector<16xf32>, vector<16xf32>
      }
      %scan3A_58 = arith.constant 50 : i32
      %add3A_59 = arith.addf %scan3A_57#0, %scan3A_57#2 : vector<16xf32>
      %add3A_60 = arith.addf %scan3A_57#4, %scan3A_57#6 : vector<16xf32>
      %add3A_61 = arith.addf %add3A_59, %add3A_60 : vector<16xf32>
      %add3A_62 = arith.addf %scan3A_57#1, %scan3A_57#3 : vector<16xf32>
      %add3A_63 = arith.addf %scan3A_57#5, %scan3A_57#7 : vector<16xf32>
      %add3A_64 = arith.addf %add3A_62, %add3A_63 : vector<16xf32>
      %mul3A_65 = arith.constant 4 : i32
      %mul3A_66 = arith.muli %mul3A_14, %mul3A_65 : i32
      %add3A_67 = arith.constant 1 : i32
      %add3A_68 = arith.addi %mul3A_66, %add3A_67 : i32
      %swap3A_69 = arith.index_cast %add3A_68 : i32 to index
      %swap3A_70 = arith.constant 0 : index
      %swap3A_71 = tpu.vector_load %arg9[%swap3A_69, %swap3A_70] {strides = array<i32>} : memref<512x32xf32, #tpu.memory_space<vmem>>, vector<1x16xf32>,
      %swap3A_72 = vector.shape_cast %swap3A_71 : vector<1x16xf32> to vector<16xf32>
      %swap3A_73 = vector.shape_cast %add3A_61 : vector<16xf32> to vector<1x16xf32>
      tpu.vector_store %arg9[%swap3A_69, %swap3A_70], %swap3A_73 {strides = array<i32>} : memref<512x32xf32, #tpu.memory_space<vmem>>, vector<1x16xf32>,
      %swap3A_74 = arith.index_cast %add3A_68 : i32 to index
      %swap3A_75 = arith.constant 16 : index
      %swap3A_76 = tpu.vector_load %arg9[%swap3A_74, %swap3A_75] {strides = array<i32>} : memref<512x32xf32, #tpu.memory_space<vmem>>, vector<1x16xf32>,
      %swap3A_77 = vector.shape_cast %swap3A_76 : vector<1x16xf32> to vector<16xf32>
      %swap3A_78 = vector.shape_cast %add3A_64 : vector<16xf32> to vector<1x16xf32>
      tpu.vector_store %arg9[%swap3A_74, %swap3A_75], %swap3A_78 {strides = array<i32>} : memref<512x32xf32, #tpu.memory_space<vmem>>, vector<1x16xf32>,
      %broadcast_in_dim3A_79 = arith.constant 0.000000e+00 : f32
      %broadcast_in_dim3A_80 = vector.broadcast %broadcast_in_dim3A_79 : f32 to vector<16xf32>
      %scan3A_81 = arith.constant 0 : i32
      %scan3A_82 = arith.constant 50 : i32
      %scan3A_83 = arith.addi %scan3A_81, %scan3A_82 : i32
      %scan3A_84 = arith.constant 1 : i32
      %scan3A_85:8 = scf.for %scan3A_254 = %scan3A_81 to %scan3A_83 step %scan3A_84 iter_args(%scan3A_255 = %broadcast_in_dim3A_80, %scan3A_256 = %broadcast_in_dim3A_80, %scan3A_257 = %broadcast_in_dim3A_80, %scan3A_258 = %broadcast_in_dim3A_80, %scan3A_259 = %broadcast_in_dim3A_80, %scan3A_260 = %broadcast_in_dim3A_80, %scan3A_261 = %broadcast_in_dim3A_80, %scan3A_262 = %broadcast_in_dim3A_80) -> (vector<16xf32>, vector<16xf32>, vector<16xf32>, vector<16xf32>, vector<16xf32>, vector<16xf32>, vector<16xf32>, vector<16xf32>)  : i32 {
        %mul3A_263 = arith.constant 4 : i32
        %mul3A_264 = arith.muli %mul3A_263, %scan3A_254 : i32
        %add3A_265 = arith.constant 400 : i32
        %add3A_266 = arith.addi %add3A_265, %mul3A_264 : i32
        %get3A = arith.index_cast %add3A_266 : i32 to index
        %get3A_267 = arith.constant 0 : index
        %get3A_268 = tpu.vector_load %arg7[%get3A, %get3A_267] {strides = array<i32>} : memref<800x32xf32, #tpu.memory_space<vmem>>, vector<1x16xf32>,
        %get3A_269 = vector.shape_cast %get3A_268 : vector<1x16xf32> to vector<16xf32>
        %add3A_270 = arith.addf %scan3A_255, %get3A_269 : vector<16xf32>
        %get3A_271 = arith.index_cast %add3A_266 : i32 to index
        %get3A_272 = arith.constant 16 : index
        %get3A_273 = tpu.vector_load %arg7[%get3A_271, %get3A_272] {strides = array<i32>} : memref<800x32xf32, #tpu.memory_space<vmem>>, vector<1x16xf32>,
        %get3A_274 = vector.shape_cast %get3A_273 : vector<1x16xf32> to vector<16xf32>
        %add3A_275 = arith.addf %scan3A_256, %get3A_274 : vector<16xf32>
        %add3A_276 = arith.constant 1 : i32
        %add3A_277 = arith.addi %add3A_266, %add3A_276 : i32
        %get3A_278 = arith.index_cast %add3A_277 : i32 to index
        %get3A_279 = arith.constant 0 : index
        %get3A_280 = tpu.vector_load %arg7[%get3A_278, %get3A_279] {strides = array<i32>} : memref<800x32xf32, #tpu.memory_space<vmem>>, vector<1x16xf32>,
        %get3A_281 = vector.shape_cast %get3A_280 : vector<1x16xf32> to vector<16xf32>
        %add3A_282 = arith.addf %scan3A_257, %get3A_281 : vector<16xf32>
        %add3A_283 = arith.constant 1 : i32
        %add3A_284 = arith.addi %add3A_266, %add3A_283 : i32
        %get3A_285 = arith.index_cast %add3A_284 : i32 to index
        %get3A_286 = arith.constant 16 : index
        %get3A_287 = tpu.vector_load %arg7[%get3A_285, %get3A_286] {strides = array<i32>} : memref<800x32xf32, #tpu.memory_space<vmem>>, vector<1x16xf32>,
        %get3A_288 = vector.shape_cast %get3A_287 : vector<1x16xf32> to vector<16xf32>
        %add3A_289 = arith.addf %scan3A_258, %get3A_288 : vector<16xf32>
        %add3A_290 = arith.constant 2 : i32
        %add3A_291 = arith.addi %add3A_266, %add3A_290 : i32
        %get3A_292 = arith.index_cast %add3A_291 : i32 to index
        %get3A_293 = arith.constant 0 : index
        %get3A_294 = tpu.vector_load %arg7[%get3A_292, %get3A_293] {strides = array<i32>} : memref<800x32xf32, #tpu.memory_space<vmem>>, vector<1x16xf32>,
        %get3A_295 = vector.shape_cast %get3A_294 : vector<1x16xf32> to vector<16xf32>
        %add3A_296 = arith.addf %scan3A_259, %get3A_295 : vector<16xf32>
        %add3A_297 = arith.constant 2 : i32
        %add3A_298 = arith.addi %add3A_266, %add3A_297 : i32
        %get3A_299 = arith.index_cast %add3A_298 : i32 to index
        %get3A_300 = arith.constant 16 : index
        %get3A_301 = tpu.vector_load %arg7[%get3A_299, %get3A_300] {strides = array<i32>} : memref<800x32xf32, #tpu.memory_space<vmem>>, vector<1x16xf32>,
        %get3A_302 = vector.shape_cast %get3A_301 : vector<1x16xf32> to vector<16xf32>
        %add3A_303 = arith.addf %scan3A_260, %get3A_302 : vector<16xf32>
        %add3A_304 = arith.constant 3 : i32
        %add3A_305 = arith.addi %add3A_266, %add3A_304 : i32
        %get3A_306 = arith.index_cast %add3A_305 : i32 to index
        %get3A_307 = arith.constant 0 : index
        %get3A_308 = tpu.vector_load %arg7[%get3A_306, %get3A_307] {strides = array<i32>} : memref<800x32xf32, #tpu.memory_space<vmem>>, vector<1x16xf32>,
        %get3A_309 = vector.shape_cast %get3A_308 : vector<1x16xf32> to vector<16xf32>
        %add3A_310 = arith.addf %scan3A_261, %get3A_309 : vector<16xf32>
        %add3A_311 = arith.constant 3 : i32
        %add3A_312 = arith.addi %add3A_266, %add3A_311 : i32
        %get3A_313 = arith.index_cast %add3A_312 : i32 to index
        %get3A_314 = arith.constant 16 : index
        %get3A_315 = tpu.vector_load %arg7[%get3A_313, %get3A_314] {strides = array<i32>} : memref<800x32xf32, #tpu.memory_space<vmem>>, vector<1x16xf32>,
        %get3A_316 = vector.shape_cast %get3A_315 : vector<1x16xf32> to vector<16xf32>
        %add3A_317 = arith.addf %scan3A_262, %get3A_316 : vector<16xf32>
        scf.yield %add3A_270, %add3A_275, %add3A_282, %add3A_289, %add3A_296, %add3A_303, %add3A_310, %add3A_317 : vector<16xf32>, vector<16xf32>, vector<16xf32>, vector<16xf32>, vector<16xf32>, vector<16xf32>, vector<16xf32>, vector<16xf32>
      }
      %scan3A_86 = arith.constant 50 : i32
      %add3A_87 = arith.addf %scan3A_85#0, %scan3A_85#2 : vector<16xf32>
      %add3A_88 = arith.addf %scan3A_85#4, %scan3A_85#6 : vector<16xf32>
      %add3A_89 = arith.addf %add3A_87, %add3A_88 : vector<16xf32>
      %add3A_90 = arith.addf %scan3A_85#1, %scan3A_85#3 : vector<16xf32>
      %add3A_91 = arith.addf %scan3A_85#5, %scan3A_85#7 : vector<16xf32>
      %add3A_92 = arith.addf %add3A_90, %add3A_91 : vector<16xf32>
      %mul3A_93 = arith.constant 4 : i32
      %mul3A_94 = arith.muli %mul3A_14, %mul3A_93 : i32
      %add3A_95 = arith.constant 2 : i32
      %add3A_96 = arith.addi %mul3A_94, %add3A_95 : i32
      %swap3A_97 = arith.index_cast %add3A_96 : i32 to index
      %swap3A_98 = arith.constant 0 : index
      %swap3A_99 = tpu.vector_load %arg9[%swap3A_97, %swap3A_98] {strides = array<i32>} : memref<512x32xf32, #tpu.memory_space<vmem>>, vector<1x16xf32>,
      %swap3A_100 = vector.shape_cast %swap3A_99 : vector<1x16xf32> to vector<16xf32>
      %swap3A_101 = vector.shape_cast %add3A_89 : vector<16xf32> to vector<1x16xf32>
      tpu.vector_store %arg9[%swap3A_97, %swap3A_98], %swap3A_101 {strides = array<i32>} : memref<512x32xf32, #tpu.memory_space<vmem>>, vector<1x16xf32>,
      %swap3A_102 = arith.index_cast %add3A_96 : i32 to index
      %swap3A_103 = arith.constant 16 : index
      %swap3A_104 = tpu.vector_load %arg9[%swap3A_102, %swap3A_103] {strides = array<i32>} : memref<512x32xf32, #tpu.memory_space<vmem>>, vector<1x16xf32>,
      %swap3A_105 = vector.shape_cast %swap3A_104 : vector<1x16xf32> to vector<16xf32>
      %swap3A_106 = vector.shape_cast %add3A_92 : vector<16xf32> to vector<1x16xf32>
      tpu.vector_store %arg9[%swap3A_102, %swap3A_103], %swap3A_106 {strides = array<i32>} : memref<512x32xf32, #tpu.memory_space<vmem>>, vector<1x16xf32>,
      %broadcast_in_dim3A_107 = arith.constant 0.000000e+00 : f32
      %broadcast_in_dim3A_108 = vector.broadcast %broadcast_in_dim3A_107 : f32 to vector<16xf32>
      %scan3A_109 = arith.constant 0 : i32
      %scan3A_110 = arith.constant 50 : i32
      %scan3A_111 = arith.addi %scan3A_109, %scan3A_110 : i32
      %scan3A_112 = arith.constant 1 : i32
      %scan3A_113:8 = scf.for %scan3A_254 = %scan3A_109 to %scan3A_111 step %scan3A_112 iter_args(%scan3A_255 = %broadcast_in_dim3A_108, %scan3A_256 = %broadcast_in_dim3A_108, %scan3A_257 = %broadcast_in_dim3A_108, %scan3A_258 = %broadcast_in_dim3A_108, %scan3A_259 = %broadcast_in_dim3A_108, %scan3A_260 = %broadcast_in_dim3A_108, %scan3A_261 = %broadcast_in_dim3A_108, %scan3A_262 = %broadcast_in_dim3A_108) -> (vector<16xf32>, vector<16xf32>, vector<16xf32>, vector<16xf32>, vector<16xf32>, vector<16xf32>, vector<16xf32>, vector<16xf32>)  : i32 {
        %mul3A_263 = arith.constant 4 : i32
        %mul3A_264 = arith.muli %mul3A_263, %scan3A_254 : i32
        %add3A_265 = arith.constant 600 : i32
        %add3A_266 = arith.addi %add3A_265, %mul3A_264 : i32
        %get3A = arith.index_cast %add3A_266 : i32 to index
        %get3A_267 = arith.constant 0 : index
        %get3A_268 = tpu.vector_load %arg7[%get3A, %get3A_267] {strides = array<i32>} : memref<800x32xf32, #tpu.memory_space<vmem>>, vector<1x16xf32>,
        %get3A_269 = vector.shape_cast %get3A_268 : vector<1x16xf32> to vector<16xf32>
        %add3A_270 = arith.addf %scan3A_255, %get3A_269 : vector<16xf32>
        %get3A_271 = arith.index_cast %add3A_266 : i32 to index
        %get3A_272 = arith.constant 16 : index
        %get3A_273 = tpu.vector_load %arg7[%get3A_271, %get3A_272] {strides = array<i32>} : memref<800x32xf32, #tpu.memory_space<vmem>>, vector<1x16xf32>,
        %get3A_274 = vector.shape_cast %get3A_273 : vector<1x16xf32> to vector<16xf32>
        %add3A_275 = arith.addf %scan3A_256, %get3A_274 : vector<16xf32>
        %add3A_276 = arith.constant 1 : i32
        %add3A_277 = arith.addi %add3A_266, %add3A_276 : i32
        %get3A_278 = arith.index_cast %add3A_277 : i32 to index
        %get3A_279 = arith.constant 0 : index
        %get3A_280 = tpu.vector_load %arg7[%get3A_278, %get3A_279] {strides = array<i32>} : memref<800x32xf32, #tpu.memory_space<vmem>>, vector<1x16xf32>,
        %get3A_281 = vector.shape_cast %get3A_280 : vector<1x16xf32> to vector<16xf32>
        %add3A_282 = arith.addf %scan3A_257, %get3A_281 : vector<16xf32>
        %add3A_283 = arith.constant 1 : i32
        %add3A_284 = arith.addi %add3A_266, %add3A_283 : i32
        %get3A_285 = arith.index_cast %add3A_284 : i32 to index
        %get3A_286 = arith.constant 16 : index
        %get3A_287 = tpu.vector_load %arg7[%get3A_285, %get3A_286] {strides = array<i32>} : memref<800x32xf32, #tpu.memory_space<vmem>>, vector<1x16xf32>,
        %get3A_288 = vector.shape_cast %get3A_287 : vector<1x16xf32> to vector<16xf32>
        %add3A_289 = arith.addf %scan3A_258, %get3A_288 : vector<16xf32>
        %add3A_290 = arith.constant 2 : i32
        %add3A_291 = arith.addi %add3A_266, %add3A_290 : i32
        %get3A_292 = arith.index_cast %add3A_291 : i32 to index
        %get3A_293 = arith.constant 0 : index
        %get3A_294 = tpu.vector_load %arg7[%get3A_292, %get3A_293] {strides = array<i32>} : memref<800x32xf32, #tpu.memory_space<vmem>>, vector<1x16xf32>,
        %get3A_295 = vector.shape_cast %get3A_294 : vector<1x16xf32> to vector<16xf32>
        %add3A_296 = arith.addf %scan3A_259, %get3A_295 : vector<16xf32>
        %add3A_297 = arith.constant 2 : i32
        %add3A_298 = arith.addi %add3A_266, %add3A_297 : i32
        %get3A_299 = arith.index_cast %add3A_298 : i32 to index
        %get3A_300 = arith.constant 16 : index
        %get3A_301 = tpu.vector_load %arg7[%get3A_299, %get3A_300] {strides = array<i32>} : memref<800x32xf32, #tpu.memory_space<vmem>>, vector<1x16xf32>,
        %get3A_302 = vector.shape_cast %get3A_301 : vector<1x16xf32> to vector<16xf32>
        %add3A_303 = arith.addf %scan3A_260, %get3A_302 : vector<16xf32>
        %add3A_304 = arith.constant 3 : i32
        %add3A_305 = arith.addi %add3A_266, %add3A_304 : i32
        %get3A_306 = arith.index_cast %add3A_305 : i32 to index
        %get3A_307 = arith.constant 0 : index
        %get3A_308 = tpu.vector_load %arg7[%get3A_306, %get3A_307] {strides = array<i32>} : memref<800x32xf32, #tpu.memory_space<vmem>>, vector<1x16xf32>,
        %get3A_309 = vector.shape_cast %get3A_308 : vector<1x16xf32> to vector<16xf32>
        %add3A_310 = arith.addf %scan3A_261, %get3A_309 : vector<16xf32>
        %add3A_311 = arith.constant 3 : i32
        %add3A_312 = arith.addi %add3A_266, %add3A_311 : i32
        %get3A_313 = arith.index_cast %add3A_312 : i32 to index
        %get3A_314 = arith.constant 16 : index
        %get3A_315 = tpu.vector_load %arg7[%get3A_313, %get3A_314] {strides = array<i32>} : memref<800x32xf32, #tpu.memory_space<vmem>>, vector<1x16xf32>,
        %get3A_316 = vector.shape_cast %get3A_315 : vector<1x16xf32> to vector<16xf32>
        %add3A_317 = arith.addf %scan3A_262, %get3A_316 : vector<16xf32>
        scf.yield %add3A_270, %add3A_275, %add3A_282, %add3A_289, %add3A_296, %add3A_303, %add3A_310, %add3A_317 : vector<16xf32>, vector<16xf32>, vector<16xf32>, vector<16xf32>, vector<16xf32>, vector<16xf32>, vector<16xf32>, vector<16xf32>
      }
      %scan3A_114 = arith.constant 50 : i32
      %add3A_115 = arith.addf %scan3A_113#0, %scan3A_113#2 : vector<16xf32>
      %add3A_116 = arith.addf %scan3A_113#4, %scan3A_113#6 : vector<16xf32>
      %add3A_117 = arith.addf %add3A_115, %add3A_116 : vector<16xf32>
      %add3A_118 = arith.addf %scan3A_113#1, %scan3A_113#3 : vector<16xf32>
      %add3A_119 = arith.addf %scan3A_113#5, %scan3A_113#7 : vector<16xf32>
      %add3A_120 = arith.addf %add3A_118, %add3A_119 : vector<16xf32>
      %mul3A_121 = arith.constant 4 : i32
      %mul3A_122 = arith.muli %mul3A_14, %mul3A_121 : i32
      %add3A_123 = arith.constant 3 : i32
      %add3A_124 = arith.addi %mul3A_122, %add3A_123 : i32
      %swap3A_125 = arith.index_cast %add3A_124 : i32 to index
      %swap3A_126 = arith.constant 0 : index
      %swap3A_127 = tpu.vector_load %arg9[%swap3A_125, %swap3A_126] {strides = array<i32>} : memref<512x32xf32, #tpu.memory_space<vmem>>, vector<1x16xf32>,
      %swap3A_128 = vector.shape_cast %swap3A_127 : vector<1x16xf32> to vector<16xf32>
      %swap3A_129 = vector.shape_cast %add3A_117 : vector<16xf32> to vector<1x16xf32>
      tpu.vector_store %arg9[%swap3A_125, %swap3A_126], %swap3A_129 {strides = array<i32>} : memref<512x32xf32, #tpu.memory_space<vmem>>, vector<1x16xf32>,
      %swap3A_130 = arith.index_cast %add3A_124 : i32 to index
      %swap3A_131 = arith.constant 16 : index
      %swap3A_132 = tpu.vector_load %arg9[%swap3A_130, %swap3A_131] {strides = array<i32>} : memref<512x32xf32, #tpu.memory_space<vmem>>, vector<1x16xf32>,
      %swap3A_133 = vector.shape_cast %swap3A_132 : vector<1x16xf32> to vector<16xf32>
      %swap3A_134 = vector.shape_cast %add3A_120 : vector<16xf32> to vector<1x16xf32>
      tpu.vector_store %arg9[%swap3A_130, %swap3A_131], %swap3A_134 {strides = array<i32>} : memref<512x32xf32, #tpu.memory_space<vmem>>, vector<1x16xf32>,
      %lt3A = arith.constant 63 : i32
      %lt3A_135 = arith.cmpi slt, %scan3A_12, %lt3A : i32
      %convert_element_type3A = arith.extui %lt3A_135 : i1 to i32
      %cond3A = arith.constant 0 : i32
      %cond3A_136 = arith.cmpi ne, %convert_element_type3A, %cond3A : i32
      scf.if %cond3A_136 {
        %add3A_254 = arith.constant 2 : i32
        %add3A_255 = arith.addi %mul3A_14, %add3A_254 : i32
        %mul3A_256 = arith.constant 800 : i32
        %mul3A_257 = arith.muli %add3A_255, %mul3A_256 : i32
        %add3A_258 = arith.addi %mul3A_4, %mul3A_257 : i32
        "tpu.region"() ({
          %run_scoped3A = tpu.sem_alloc : memref<!tpu.dma_semaphore, #tpu.memory_space<semaphore_mem>>
          %dma_start3A_262 = tpu.memref_slice %arg2[%add3A_258] : memref<3276800xi32, #tpu.memory_space<hbm>> -> memref<800xi32, #tpu.memory_space<hbm>>
          %dma_start3A_263 = tpu.memref_slice %arg2[%add3A_258] : memref<3276800xi32, #tpu.memory_space<hbm>> -> memref<800xi32, #tpu.memory_space<hbm>>
          tpu.enqueue_dma source(%dma_start3A_263 : memref<800xi32, #tpu.memory_space<hbm>>) target(%arg5 : memref<800xi32, #tpu.memory_space<vmem>>) target_semaphore(%run_scoped3A : memref<!tpu.dma_semaphore, #tpu.memory_space<semaphore_mem>>)
          %dma_wait3A_264 = tpu.memref_slice %arg2[%add3A_258] : memref<3276800xi32, #tpu.memory_space<hbm>> -> memref<800xi32, #tpu.memory_space<hbm>>
          %dma_wait3A_265 = tpu.memref_slice %arg2[%add3A_258] : memref<3276800xi32, #tpu.memory_space<hbm>> -> memref<800xi32, #tpu.memory_space<hbm>>
          tpu.wait_dma2 semaphore(%run_scoped3A : memref<!tpu.dma_semaphore, #tpu.memory_space<semaphore_mem>>) src(%dma_wait3A_265 : memref<800xi32, #tpu.memory_space<hbm>>) dst(%arg5 : memref<800xi32, #tpu.memory_space<vmem>>)
          tpu.yield
        }) : () -> ()
        %dma_start3A_259 = arith.constant 0 : i32
        %dma_start3A_260 = arith.constant 0 : i32
        %dma_start3A_261 = tpu.memref_slice %arg3[%dma_start3A_259, %dma_start3A_260] : memref<1000000x32xf32, #tpu.memory_space<hbm>> -> memref<1000000x32xf32, #tpu.memory_space<hbm>>
        tpu.enqueue_indirect_dma source(%dma_start3A_261 : memref<1000000x32xf32, #tpu.memory_space<hbm>>) target(%arg7 : memref<800x32xf32, #tpu.memory_space<vmem>>) offsets(%arg5 : memref<800xi32, #tpu.memory_space<vmem>>) semaphore(%arg10 : memref<!tpu.dma_semaphore, #tpu.memory_space<semaphore_mem>>)
      } else {
      }
      %dma_wait3A_137 = arith.constant 0 : i32
      %dma_wait3A_138 = arith.constant 0 : i32
      %dma_wait3A_139 = tpu.memref_slice %arg3[%dma_wait3A_137, %dma_wait3A_138] : memref<1000000x32xf32, #tpu.memory_space<hbm>> -> memref<1000000x32xf32, #tpu.memory_space<hbm>>
      tpu.wait_indirect_dma semaphore(%arg11 : memref<!tpu.dma_semaphore, #tpu.memory_space<semaphore_mem>>) src(%dma_wait3A_139 : memref<1000000x32xf32, #tpu.memory_space<hbm>>) dst(%arg8 : memref<800x32xf32, #tpu.memory_space<vmem>>)
      %add3A_140 = arith.constant 1 : i32
      %add3A_141 = arith.addi %mul3A_14, %add3A_140 : i32
      %broadcast_in_dim3A_142 = arith.constant 0.000000e+00 : f32
      %broadcast_in_dim3A_143 = vector.broadcast %broadcast_in_dim3A_142 : f32 to vector<16xf32>
      %scan3A_144 = arith.constant 0 : i32
      %scan3A_145 = arith.constant 50 : i32
      %scan3A_146 = arith.addi %scan3A_144, %scan3A_145 : i32
      %scan3A_147 = arith.constant 1 : i32
      %scan3A_148:8 = scf.for %scan3A_254 = %scan3A_144 to %scan3A_146 step %scan3A_147 iter_args(%scan3A_255 = %broadcast_in_dim3A_143, %scan3A_256 = %broadcast_in_dim3A_143, %scan3A_257 = %broadcast_in_dim3A_143, %scan3A_258 = %broadcast_in_dim3A_143, %scan3A_259 = %broadcast_in_dim3A_143, %scan3A_260 = %broadcast_in_dim3A_143, %scan3A_261 = %broadcast_in_dim3A_143, %scan3A_262 = %broadcast_in_dim3A_143) -> (vector<16xf32>, vector<16xf32>, vector<16xf32>, vector<16xf32>, vector<16xf32>, vector<16xf32>, vector<16xf32>, vector<16xf32>)  : i32 {
        %mul3A_263 = arith.constant 4 : i32
        %mul3A_264 = arith.muli %mul3A_263, %scan3A_254 : i32
        %add3A_265 = arith.constant 0 : i32
        %add3A_266 = arith.addi %add3A_265, %mul3A_264 : i32
        %get3A = arith.index_cast %add3A_266 : i32 to index
        %get3A_267 = arith.constant 0 : index
        %get3A_268 = tpu.vector_load %arg8[%get3A, %get3A_267] {strides = array<i32>} : memref<800x32xf32, #tpu.memory_space<vmem>>, vector<1x16xf32>,
        %get3A_269 = vector.shape_cast %get3A_268 : vector<1x16xf32> to vector<16xf32>
        %add3A_270 = arith.addf %scan3A_255, %get3A_269 : vector<16xf32>
        %get3A_271 = arith.index_cast %add3A_266 : i32 to index
        %get3A_272 = arith.constant 16 : index
        %get3A_273 = tpu.vector_load %arg8[%get3A_271, %get3A_272] {strides = array<i32>} : memref<800x32xf32, #tpu.memory_space<vmem>>, vector<1x16xf32>,
        %get3A_274 = vector.shape_cast %get3A_273 : vector<1x16xf32> to vector<16xf32>
        %add3A_275 = arith.addf %scan3A_256, %get3A_274 : vector<16xf32>
        %add3A_276 = arith.constant 1 : i32
        %add3A_277 = arith.addi %add3A_266, %add3A_276 : i32
        %get3A_278 = arith.index_cast %add3A_277 : i32 to index
        %get3A_279 = arith.constant 0 : index
        %get3A_280 = tpu.vector_load %arg8[%get3A_278, %get3A_279] {strides = array<i32>} : memref<800x32xf32, #tpu.memory_space<vmem>>, vector<1x16xf32>,
        %get3A_281 = vector.shape_cast %get3A_280 : vector<1x16xf32> to vector<16xf32>
        %add3A_282 = arith.addf %scan3A_257, %get3A_281 : vector<16xf32>
        %add3A_283 = arith.constant 1 : i32
        %add3A_284 = arith.addi %add3A_266, %add3A_283 : i32
        %get3A_285 = arith.index_cast %add3A_284 : i32 to index
        %get3A_286 = arith.constant 16 : index
        %get3A_287 = tpu.vector_load %arg8[%get3A_285, %get3A_286] {strides = array<i32>} : memref<800x32xf32, #tpu.memory_space<vmem>>, vector<1x16xf32>,
        %get3A_288 = vector.shape_cast %get3A_287 : vector<1x16xf32> to vector<16xf32>
        %add3A_289 = arith.addf %scan3A_258, %get3A_288 : vector<16xf32>
        %add3A_290 = arith.constant 2 : i32
        %add3A_291 = arith.addi %add3A_266, %add3A_290 : i32
        %get3A_292 = arith.index_cast %add3A_291 : i32 to index
        %get3A_293 = arith.constant 0 : index
        %get3A_294 = tpu.vector_load %arg8[%get3A_292, %get3A_293] {strides = array<i32>} : memref<800x32xf32, #tpu.memory_space<vmem>>, vector<1x16xf32>,
        %get3A_295 = vector.shape_cast %get3A_294 : vector<1x16xf32> to vector<16xf32>
        %add3A_296 = arith.addf %scan3A_259, %get3A_295 : vector<16xf32>
        %add3A_297 = arith.constant 2 : i32
        %add3A_298 = arith.addi %add3A_266, %add3A_297 : i32
        %get3A_299 = arith.index_cast %add3A_298 : i32 to index
        %get3A_300 = arith.constant 16 : index
        %get3A_301 = tpu.vector_load %arg8[%get3A_299, %get3A_300] {strides = array<i32>} : memref<800x32xf32, #tpu.memory_space<vmem>>, vector<1x16xf32>,
        %get3A_302 = vector.shape_cast %get3A_301 : vector<1x16xf32> to vector<16xf32>
        %add3A_303 = arith.addf %scan3A_260, %get3A_302 : vector<16xf32>
        %add3A_304 = arith.constant 3 : i32
        %add3A_305 = arith.addi %add3A_266, %add3A_304 : i32
        %get3A_306 = arith.index_cast %add3A_305 : i32 to index
        %get3A_307 = arith.constant 0 : index
        %get3A_308 = tpu.vector_load %arg8[%get3A_306, %get3A_307] {strides = array<i32>} : memref<800x32xf32, #tpu.memory_space<vmem>>, vector<1x16xf32>,
        %get3A_309 = vector.shape_cast %get3A_308 : vector<1x16xf32> to vector<16xf32>
        %add3A_310 = arith.addf %scan3A_261, %get3A_309 : vector<16xf32>
        %add3A_311 = arith.constant 3 : i32
        %add3A_312 = arith.addi %add3A_266, %add3A_311 : i32
        %get3A_313 = arith.index_cast %add3A_312 : i32 to index
        %get3A_314 = arith.constant 16 : index
        %get3A_315 = tpu.vector_load %arg8[%get3A_313, %get3A_314] {strides = array<i32>} : memref<800x32xf32, #tpu.memory_space<vmem>>, vector<1x16xf32>,
        %get3A_316 = vector.shape_cast %get3A_315 : vector<1x16xf32> to vector<16xf32>
        %add3A_317 = arith.addf %scan3A_262, %get3A_316 : vector<16xf32>
        scf.yield %add3A_270, %add3A_275, %add3A_282, %add3A_289, %add3A_296, %add3A_303, %add3A_310, %add3A_317 : vector<16xf32>, vector<16xf32>, vector<16xf32>, vector<16xf32>, vector<16xf32>, vector<16xf32>, vector<16xf32>, vector<16xf32>
      }
      %scan3A_149 = arith.constant 50 : i32
      %add3A_150 = arith.addf %scan3A_148#0, %scan3A_148#2 : vector<16xf32>
      %add3A_151 = arith.addf %scan3A_148#4, %scan3A_148#6 : vector<16xf32>
      %add3A_152 = arith.addf %add3A_150, %add3A_151 : vector<16xf32>
      %add3A_153 = arith.addf %scan3A_148#1, %scan3A_148#3 : vector<16xf32>
      %add3A_154 = arith.addf %scan3A_148#5, %scan3A_148#7 : vector<16xf32>
      %add3A_155 = arith.addf %add3A_153, %add3A_154 : vector<16xf32>
      %mul3A_156 = arith.constant 4 : i32
      %mul3A_157 = arith.muli %add3A_141, %mul3A_156 : i32
      %add3A_158 = arith.constant 0 : i32
      %add3A_159 = arith.addi %mul3A_157, %add3A_158 : i32
      %swap3A_160 = arith.index_cast %add3A_159 : i32 to index
      %swap3A_161 = arith.constant 0 : index
      %swap3A_162 = tpu.vector_load %arg9[%swap3A_160, %swap3A_161] {strides = array<i32>} : memref<512x32xf32, #tpu.memory_space<vmem>>, vector<1x16xf32>,
      %swap3A_163 = vector.shape_cast %swap3A_162 : vector<1x16xf32> to vector<16xf32>
      %swap3A_164 = vector.shape_cast %add3A_152 : vector<16xf32> to vector<1x16xf32>
      tpu.vector_store %arg9[%swap3A_160, %swap3A_161], %swap3A_164 {strides = array<i32>} : memref<512x32xf32, #tpu.memory_space<vmem>>, vector<1x16xf32>,
      %swap3A_165 = arith.index_cast %add3A_159 : i32 to index
      %swap3A_166 = arith.constant 16 : index
      %swap3A_167 = tpu.vector_load %arg9[%swap3A_165, %swap3A_166] {strides = array<i32>} : memref<512x32xf32, #tpu.memory_space<vmem>>, vector<1x16xf32>,
      %swap3A_168 = vector.shape_cast %swap3A_167 : vector<1x16xf32> to vector<16xf32>
      %swap3A_169 = vector.shape_cast %add3A_155 : vector<16xf32> to vector<1x16xf32>
      tpu.vector_store %arg9[%swap3A_165, %swap3A_166], %swap3A_169 {strides = array<i32>} : memref<512x32xf32, #tpu.memory_space<vmem>>, vector<1x16xf32>,
      %broadcast_in_dim3A_170 = arith.constant 0.000000e+00 : f32
      %broadcast_in_dim3A_171 = vector.broadcast %broadcast_in_dim3A_170 : f32 to vector<16xf32>
      %scan3A_172 = arith.constant 0 : i32
      %scan3A_173 = arith.constant 50 : i32
      %scan3A_174 = arith.addi %scan3A_172, %scan3A_173 : i32
      %scan3A_175 = arith.constant 1 : i32
      %scan3A_176:8 = scf.for %scan3A_254 = %scan3A_172 to %scan3A_174 step %scan3A_175 iter_args(%scan3A_255 = %broadcast_in_dim3A_171, %scan3A_256 = %broadcast_in_dim3A_171, %scan3A_257 = %broadcast_in_dim3A_171, %scan3A_258 = %broadcast_in_dim3A_171, %scan3A_259 = %broadcast_in_dim3A_171, %scan3A_260 = %broadcast_in_dim3A_171, %scan3A_261 = %broadcast_in_dim3A_171, %scan3A_262 = %broadcast_in_dim3A_171) -> (vector<16xf32>, vector<16xf32>, vector<16xf32>, vector<16xf32>, vector<16xf32>, vector<16xf32>, vector<16xf32>, vector<16xf32>)  : i32 {
        %mul3A_263 = arith.constant 4 : i32
        %mul3A_264 = arith.muli %mul3A_263, %scan3A_254 : i32
        %add3A_265 = arith.constant 200 : i32
        %add3A_266 = arith.addi %add3A_265, %mul3A_264 : i32
        %get3A = arith.index_cast %add3A_266 : i32 to index
        %get3A_267 = arith.constant 0 : index
        %get3A_268 = tpu.vector_load %arg8[%get3A, %get3A_267] {strides = array<i32>} : memref<800x32xf32, #tpu.memory_space<vmem>>, vector<1x16xf32>,
        %get3A_269 = vector.shape_cast %get3A_268 : vector<1x16xf32> to vector<16xf32>
        %add3A_270 = arith.addf %scan3A_255, %get3A_269 : vector<16xf32>
        %get3A_271 = arith.index_cast %add3A_266 : i32 to index
        %get3A_272 = arith.constant 16 : index
        %get3A_273 = tpu.vector_load %arg8[%get3A_271, %get3A_272] {strides = array<i32>} : memref<800x32xf32, #tpu.memory_space<vmem>>, vector<1x16xf32>,
        %get3A_274 = vector.shape_cast %get3A_273 : vector<1x16xf32> to vector<16xf32>
        %add3A_275 = arith.addf %scan3A_256, %get3A_274 : vector<16xf32>
        %add3A_276 = arith.constant 1 : i32
        %add3A_277 = arith.addi %add3A_266, %add3A_276 : i32
        %get3A_278 = arith.index_cast %add3A_277 : i32 to index
        %get3A_279 = arith.constant 0 : index
        %get3A_280 = tpu.vector_load %arg8[%get3A_278, %get3A_279] {strides = array<i32>} : memref<800x32xf32, #tpu.memory_space<vmem>>, vector<1x16xf32>,
        %get3A_281 = vector.shape_cast %get3A_280 : vector<1x16xf32> to vector<16xf32>
        %add3A_282 = arith.addf %scan3A_257, %get3A_281 : vector<16xf32>
        %add3A_283 = arith.constant 1 : i32
        %add3A_284 = arith.addi %add3A_266, %add3A_283 : i32
        %get3A_285 = arith.index_cast %add3A_284 : i32 to index
        %get3A_286 = arith.constant 16 : index
        %get3A_287 = tpu.vector_load %arg8[%get3A_285, %get3A_286] {strides = array<i32>} : memref<800x32xf32, #tpu.memory_space<vmem>>, vector<1x16xf32>,
        %get3A_288 = vector.shape_cast %get3A_287 : vector<1x16xf32> to vector<16xf32>
        %add3A_289 = arith.addf %scan3A_258, %get3A_288 : vector<16xf32>
        %add3A_290 = arith.constant 2 : i32
        %add3A_291 = arith.addi %add3A_266, %add3A_290 : i32
        %get3A_292 = arith.index_cast %add3A_291 : i32 to index
        %get3A_293 = arith.constant 0 : index
        %get3A_294 = tpu.vector_load %arg8[%get3A_292, %get3A_293] {strides = array<i32>} : memref<800x32xf32, #tpu.memory_space<vmem>>, vector<1x16xf32>,
        %get3A_295 = vector.shape_cast %get3A_294 : vector<1x16xf32> to vector<16xf32>
        %add3A_296 = arith.addf %scan3A_259, %get3A_295 : vector<16xf32>
        %add3A_297 = arith.constant 2 : i32
        %add3A_298 = arith.addi %add3A_266, %add3A_297 : i32
        %get3A_299 = arith.index_cast %add3A_298 : i32 to index
        %get3A_300 = arith.constant 16 : index
        %get3A_301 = tpu.vector_load %arg8[%get3A_299, %get3A_300] {strides = array<i32>} : memref<800x32xf32, #tpu.memory_space<vmem>>, vector<1x16xf32>,
        %get3A_302 = vector.shape_cast %get3A_301 : vector<1x16xf32> to vector<16xf32>
        %add3A_303 = arith.addf %scan3A_260, %get3A_302 : vector<16xf32>
        %add3A_304 = arith.constant 3 : i32
        %add3A_305 = arith.addi %add3A_266, %add3A_304 : i32
        %get3A_306 = arith.index_cast %add3A_305 : i32 to index
        %get3A_307 = arith.constant 0 : index
        %get3A_308 = tpu.vector_load %arg8[%get3A_306, %get3A_307] {strides = array<i32>} : memref<800x32xf32, #tpu.memory_space<vmem>>, vector<1x16xf32>,
        %get3A_309 = vector.shape_cast %get3A_308 : vector<1x16xf32> to vector<16xf32>
        %add3A_310 = arith.addf %scan3A_261, %get3A_309 : vector<16xf32>
        %add3A_311 = arith.constant 3 : i32
        %add3A_312 = arith.addi %add3A_266, %add3A_311 : i32
        %get3A_313 = arith.index_cast %add3A_312 : i32 to index
        %get3A_314 = arith.constant 16 : index
        %get3A_315 = tpu.vector_load %arg8[%get3A_313, %get3A_314] {strides = array<i32>} : memref<800x32xf32, #tpu.memory_space<vmem>>, vector<1x16xf32>,
        %get3A_316 = vector.shape_cast %get3A_315 : vector<1x16xf32> to vector<16xf32>
        %add3A_317 = arith.addf %scan3A_262, %get3A_316 : vector<16xf32>
        scf.yield %add3A_270, %add3A_275, %add3A_282, %add3A_289, %add3A_296, %add3A_303, %add3A_310, %add3A_317 : vector<16xf32>, vector<16xf32>, vector<16xf32>, vector<16xf32>, vector<16xf32>, vector<16xf32>, vector<16xf32>, vector<16xf32>
      }
      %scan3A_177 = arith.constant 50 : i32
      %add3A_178 = arith.addf %scan3A_176#0, %scan3A_176#2 : vector<16xf32>
      %add3A_179 = arith.addf %scan3A_176#4, %scan3A_176#6 : vector<16xf32>
      %add3A_180 = arith.addf %add3A_178, %add3A_179 : vector<16xf32>
      %add3A_181 = arith.addf %scan3A_176#1, %scan3A_176#3 : vector<16xf32>
      %add3A_182 = arith.addf %scan3A_176#5, %scan3A_176#7 : vector<16xf32>
      %add3A_183 = arith.addf %add3A_181, %add3A_182 : vector<16xf32>
      %mul3A_184 = arith.constant 4 : i32
      %mul3A_185 = arith.muli %add3A_141, %mul3A_184 : i32
      %add3A_186 = arith.constant 1 : i32
      %add3A_187 = arith.addi %mul3A_185, %add3A_186 : i32
      %swap3A_188 = arith.index_cast %add3A_187 : i32 to index
      %swap3A_189 = arith.constant 0 : index
      %swap3A_190 = tpu.vector_load %arg9[%swap3A_188, %swap3A_189] {strides = array<i32>} : memref<512x32xf32, #tpu.memory_space<vmem>>, vector<1x16xf32>,
      %swap3A_191 = vector.shape_cast %swap3A_190 : vector<1x16xf32> to vector<16xf32>
      %swap3A_192 = vector.shape_cast %add3A_180 : vector<16xf32> to vector<1x16xf32>
      tpu.vector_store %arg9[%swap3A_188, %swap3A_189], %swap3A_192 {strides = array<i32>} : memref<512x32xf32, #tpu.memory_space<vmem>>, vector<1x16xf32>,
      %swap3A_193 = arith.index_cast %add3A_187 : i32 to index
      %swap3A_194 = arith.constant 16 : index
      %swap3A_195 = tpu.vector_load %arg9[%swap3A_193, %swap3A_194] {strides = array<i32>} : memref<512x32xf32, #tpu.memory_space<vmem>>, vector<1x16xf32>,
      %swap3A_196 = vector.shape_cast %swap3A_195 : vector<1x16xf32> to vector<16xf32>
      %swap3A_197 = vector.shape_cast %add3A_183 : vector<16xf32> to vector<1x16xf32>
      tpu.vector_store %arg9[%swap3A_193, %swap3A_194], %swap3A_197 {strides = array<i32>} : memref<512x32xf32, #tpu.memory_space<vmem>>, vector<1x16xf32>,
      %broadcast_in_dim3A_198 = arith.constant 0.000000e+00 : f32
      %broadcast_in_dim3A_199 = vector.broadcast %broadcast_in_dim3A_198 : f32 to vector<16xf32>
      %scan3A_200 = arith.constant 0 : i32
      %scan3A_201 = arith.constant 50 : i32
      %scan3A_202 = arith.addi %scan3A_200, %scan3A_201 : i32
      %scan3A_203 = arith.constant 1 : i32
      %scan3A_204:8 = scf.for %scan3A_254 = %scan3A_200 to %scan3A_202 step %scan3A_203 iter_args(%scan3A_255 = %broadcast_in_dim3A_199, %scan3A_256 = %broadcast_in_dim3A_199, %scan3A_257 = %broadcast_in_dim3A_199, %scan3A_258 = %broadcast_in_dim3A_199, %scan3A_259 = %broadcast_in_dim3A_199, %scan3A_260 = %broadcast_in_dim3A_199, %scan3A_261 = %broadcast_in_dim3A_199, %scan3A_262 = %broadcast_in_dim3A_199) -> (vector<16xf32>, vector<16xf32>, vector<16xf32>, vector<16xf32>, vector<16xf32>, vector<16xf32>, vector<16xf32>, vector<16xf32>)  : i32 {
        %mul3A_263 = arith.constant 4 : i32
        %mul3A_264 = arith.muli %mul3A_263, %scan3A_254 : i32
        %add3A_265 = arith.constant 400 : i32
        %add3A_266 = arith.addi %add3A_265, %mul3A_264 : i32
        %get3A = arith.index_cast %add3A_266 : i32 to index
        %get3A_267 = arith.constant 0 : index
        %get3A_268 = tpu.vector_load %arg8[%get3A, %get3A_267] {strides = array<i32>} : memref<800x32xf32, #tpu.memory_space<vmem>>, vector<1x16xf32>,
        %get3A_269 = vector.shape_cast %get3A_268 : vector<1x16xf32> to vector<16xf32>
        %add3A_270 = arith.addf %scan3A_255, %get3A_269 : vector<16xf32>
        %get3A_271 = arith.index_cast %add3A_266 : i32 to index
        %get3A_272 = arith.constant 16 : index
        %get3A_273 = tpu.vector_load %arg8[%get3A_271, %get3A_272] {strides = array<i32>} : memref<800x32xf32, #tpu.memory_space<vmem>>, vector<1x16xf32>,
        %get3A_274 = vector.shape_cast %get3A_273 : vector<1x16xf32> to vector<16xf32>
        %add3A_275 = arith.addf %scan3A_256, %get3A_274 : vector<16xf32>
        %add3A_276 = arith.constant 1 : i32
        %add3A_277 = arith.addi %add3A_266, %add3A_276 : i32
        %get3A_278 = arith.index_cast %add3A_277 : i32 to index
        %get3A_279 = arith.constant 0 : index
        %get3A_280 = tpu.vector_load %arg8[%get3A_278, %get3A_279] {strides = array<i32>} : memref<800x32xf32, #tpu.memory_space<vmem>>, vector<1x16xf32>,
        %get3A_281 = vector.shape_cast %get3A_280 : vector<1x16xf32> to vector<16xf32>
        %add3A_282 = arith.addf %scan3A_257, %get3A_281 : vector<16xf32>
        %add3A_283 = arith.constant 1 : i32
        %add3A_284 = arith.addi %add3A_266, %add3A_283 : i32
        %get3A_285 = arith.index_cast %add3A_284 : i32 to index
        %get3A_286 = arith.constant 16 : index
        %get3A_287 = tpu.vector_load %arg8[%get3A_285, %get3A_286] {strides = array<i32>} : memref<800x32xf32, #tpu.memory_space<vmem>>, vector<1x16xf32>,
        %get3A_288 = vector.shape_cast %get3A_287 : vector<1x16xf32> to vector<16xf32>
        %add3A_289 = arith.addf %scan3A_258, %get3A_288 : vector<16xf32>
        %add3A_290 = arith.constant 2 : i32
        %add3A_291 = arith.addi %add3A_266, %add3A_290 : i32
        %get3A_292 = arith.index_cast %add3A_291 : i32 to index
        %get3A_293 = arith.constant 0 : index
        %get3A_294 = tpu.vector_load %arg8[%get3A_292, %get3A_293] {strides = array<i32>} : memref<800x32xf32, #tpu.memory_space<vmem>>, vector<1x16xf32>,
        %get3A_295 = vector.shape_cast %get3A_294 : vector<1x16xf32> to vector<16xf32>
        %add3A_296 = arith.addf %scan3A_259, %get3A_295 : vector<16xf32>
        %add3A_297 = arith.constant 2 : i32
        %add3A_298 = arith.addi %add3A_266, %add3A_297 : i32
        %get3A_299 = arith.index_cast %add3A_298 : i32 to index
        %get3A_300 = arith.constant 16 : index
        %get3A_301 = tpu.vector_load %arg8[%get3A_299, %get3A_300] {strides = array<i32>} : memref<800x32xf32, #tpu.memory_space<vmem>>, vector<1x16xf32>,
        %get3A_302 = vector.shape_cast %get3A_301 : vector<1x16xf32> to vector<16xf32>
        %add3A_303 = arith.addf %scan3A_260, %get3A_302 : vector<16xf32>
        %add3A_304 = arith.constant 3 : i32
        %add3A_305 = arith.addi %add3A_266, %add3A_304 : i32
        %get3A_306 = arith.index_cast %add3A_305 : i32 to index
        %get3A_307 = arith.constant 0 : index
        %get3A_308 = tpu.vector_load %arg8[%get3A_306, %get3A_307] {strides = array<i32>} : memref<800x32xf32, #tpu.memory_space<vmem>>, vector<1x16xf32>,
        %get3A_309 = vector.shape_cast %get3A_308 : vector<1x16xf32> to vector<16xf32>
        %add3A_310 = arith.addf %scan3A_261, %get3A_309 : vector<16xf32>
        %add3A_311 = arith.constant 3 : i32
        %add3A_312 = arith.addi %add3A_266, %add3A_311 : i32
        %get3A_313 = arith.index_cast %add3A_312 : i32 to index
        %get3A_314 = arith.constant 16 : index
        %get3A_315 = tpu.vector_load %arg8[%get3A_313, %get3A_314] {strides = array<i32>} : memref<800x32xf32, #tpu.memory_space<vmem>>, vector<1x16xf32>,
        %get3A_316 = vector.shape_cast %get3A_315 : vector<1x16xf32> to vector<16xf32>
        %add3A_317 = arith.addf %scan3A_262, %get3A_316 : vector<16xf32>
        scf.yield %add3A_270, %add3A_275, %add3A_282, %add3A_289, %add3A_296, %add3A_303, %add3A_310, %add3A_317 : vector<16xf32>, vector<16xf32>, vector<16xf32>, vector<16xf32>, vector<16xf32>, vector<16xf32>, vector<16xf32>, vector<16xf32>
      }
      %scan3A_205 = arith.constant 50 : i32
      %add3A_206 = arith.addf %scan3A_204#0, %scan3A_204#2 : vector<16xf32>
      %add3A_207 = arith.addf %scan3A_204#4, %scan3A_204#6 : vector<16xf32>
      %add3A_208 = arith.addf %add3A_206, %add3A_207 : vector<16xf32>
      %add3A_209 = arith.addf %scan3A_204#1, %scan3A_204#3 : vector<16xf32>
      %add3A_210 = arith.addf %scan3A_204#5, %scan3A_204#7 : vector<16xf32>
      %add3A_211 = arith.addf %add3A_209, %add3A_210 : vector<16xf32>
      %mul3A_212 = arith.constant 4 : i32
      %mul3A_213 = arith.muli %add3A_141, %mul3A_212 : i32
      %add3A_214 = arith.constant 2 : i32
      %add3A_215 = arith.addi %mul3A_213, %add3A_214 : i32
      %swap3A_216 = arith.index_cast %add3A_215 : i32 to index
      %swap3A_217 = arith.constant 0 : index
      %swap3A_218 = tpu.vector_load %arg9[%swap3A_216, %swap3A_217] {strides = array<i32>} : memref<512x32xf32, #tpu.memory_space<vmem>>, vector<1x16xf32>,
      %swap3A_219 = vector.shape_cast %swap3A_218 : vector<1x16xf32> to vector<16xf32>
      %swap3A_220 = vector.shape_cast %add3A_208 : vector<16xf32> to vector<1x16xf32>
      tpu.vector_store %arg9[%swap3A_216, %swap3A_217], %swap3A_220 {strides = array<i32>} : memref<512x32xf32, #tpu.memory_space<vmem>>, vector<1x16xf32>,
      %swap3A_221 = arith.index_cast %add3A_215 : i32 to index
      %swap3A_222 = arith.constant 16 : index
      %swap3A_223 = tpu.vector_load %arg9[%swap3A_221, %swap3A_222] {strides = array<i32>} : memref<512x32xf32, #tpu.memory_space<vmem>>, vector<1x16xf32>,
      %swap3A_224 = vector.shape_cast %swap3A_223 : vector<1x16xf32> to vector<16xf32>
      %swap3A_225 = vector.shape_cast %add3A_211 : vector<16xf32> to vector<1x16xf32>
      tpu.vector_store %arg9[%swap3A_221, %swap3A_222], %swap3A_225 {strides = array<i32>} : memref<512x32xf32, #tpu.memory_space<vmem>>, vector<1x16xf32>,
      %broadcast_in_dim3A_226 = arith.constant 0.000000e+00 : f32
      %broadcast_in_dim3A_227 = vector.broadcast %broadcast_in_dim3A_226 : f32 to vector<16xf32>
      %scan3A_228 = arith.constant 0 : i32
      %scan3A_229 = arith.constant 50 : i32
      %scan3A_230 = arith.addi %scan3A_228, %scan3A_229 : i32
      %scan3A_231 = arith.constant 1 : i32
      %scan3A_232:8 = scf.for %scan3A_254 = %scan3A_228 to %scan3A_230 step %scan3A_231 iter_args(%scan3A_255 = %broadcast_in_dim3A_227, %scan3A_256 = %broadcast_in_dim3A_227, %scan3A_257 = %broadcast_in_dim3A_227, %scan3A_258 = %broadcast_in_dim3A_227, %scan3A_259 = %broadcast_in_dim3A_227, %scan3A_260 = %broadcast_in_dim3A_227, %scan3A_261 = %broadcast_in_dim3A_227, %scan3A_262 = %broadcast_in_dim3A_227) -> (vector<16xf32>, vector<16xf32>, vector<16xf32>, vector<16xf32>, vector<16xf32>, vector<16xf32>, vector<16xf32>, vector<16xf32>)  : i32 {
        %mul3A_263 = arith.constant 4 : i32
        %mul3A_264 = arith.muli %mul3A_263, %scan3A_254 : i32
        %add3A_265 = arith.constant 600 : i32
        %add3A_266 = arith.addi %add3A_265, %mul3A_264 : i32
        %get3A = arith.index_cast %add3A_266 : i32 to index
        %get3A_267 = arith.constant 0 : index
        %get3A_268 = tpu.vector_load %arg8[%get3A, %get3A_267] {strides = array<i32>} : memref<800x32xf32, #tpu.memory_space<vmem>>, vector<1x16xf32>,
        %get3A_269 = vector.shape_cast %get3A_268 : vector<1x16xf32> to vector<16xf32>
        %add3A_270 = arith.addf %scan3A_255, %get3A_269 : vector<16xf32>
        %get3A_271 = arith.index_cast %add3A_266 : i32 to index
        %get3A_272 = arith.constant 16 : index
        %get3A_273 = tpu.vector_load %arg8[%get3A_271, %get3A_272] {strides = array<i32>} : memref<800x32xf32, #tpu.memory_space<vmem>>, vector<1x16xf32>,
        %get3A_274 = vector.shape_cast %get3A_273 : vector<1x16xf32> to vector<16xf32>
        %add3A_275 = arith.addf %scan3A_256, %get3A_274 : vector<16xf32>
        %add3A_276 = arith.constant 1 : i32
        %add3A_277 = arith.addi %add3A_266, %add3A_276 : i32
        %get3A_278 = arith.index_cast %add3A_277 : i32 to index
        %get3A_279 = arith.constant 0 : index
        %get3A_280 = tpu.vector_load %arg8[%get3A_278, %get3A_279] {strides = array<i32>} : memref<800x32xf32, #tpu.memory_space<vmem>>, vector<1x16xf32>,
        %get3A_281 = vector.shape_cast %get3A_280 : vector<1x16xf32> to vector<16xf32>
        %add3A_282 = arith.addf %scan3A_257, %get3A_281 : vector<16xf32>
        %add3A_283 = arith.constant 1 : i32
        %add3A_284 = arith.addi %add3A_266, %add3A_283 : i32
        %get3A_285 = arith.index_cast %add3A_284 : i32 to index
        %get3A_286 = arith.constant 16 : index
        %get3A_287 = tpu.vector_load %arg8[%get3A_285, %get3A_286] {strides = array<i32>} : memref<800x32xf32, #tpu.memory_space<vmem>>, vector<1x16xf32>,
        %get3A_288 = vector.shape_cast %get3A_287 : vector<1x16xf32> to vector<16xf32>
        %add3A_289 = arith.addf %scan3A_258, %get3A_288 : vector<16xf32>
        %add3A_290 = arith.constant 2 : i32
        %add3A_291 = arith.addi %add3A_266, %add3A_290 : i32
        %get3A_292 = arith.index_cast %add3A_291 : i32 to index
        %get3A_293 = arith.constant 0 : index
        %get3A_294 = tpu.vector_load %arg8[%get3A_292, %get3A_293] {strides = array<i32>} : memref<800x32xf32, #tpu.memory_space<vmem>>, vector<1x16xf32>,
        %get3A_295 = vector.shape_cast %get3A_294 : vector<1x16xf32> to vector<16xf32>
        %add3A_296 = arith.addf %scan3A_259, %get3A_295 : vector<16xf32>
        %add3A_297 = arith.constant 2 : i32
        %add3A_298 = arith.addi %add3A_266, %add3A_297 : i32
        %get3A_299 = arith.index_cast %add3A_298 : i32 to index
        %get3A_300 = arith.constant 16 : index
        %get3A_301 = tpu.vector_load %arg8[%get3A_299, %get3A_300] {strides = array<i32>} : memref<800x32xf32, #tpu.memory_space<vmem>>, vector<1x16xf32>,
        %get3A_302 = vector.shape_cast %get3A_301 : vector<1x16xf32> to vector<16xf32>
        %add3A_303 = arith.addf %scan3A_260, %get3A_302 : vector<16xf32>
        %add3A_304 = arith.constant 3 : i32
        %add3A_305 = arith.addi %add3A_266, %add3A_304 : i32
        %get3A_306 = arith.index_cast %add3A_305 : i32 to index
        %get3A_307 = arith.constant 0 : index
        %get3A_308 = tpu.vector_load %arg8[%get3A_306, %get3A_307] {strides = array<i32>} : memref<800x32xf32, #tpu.memory_space<vmem>>, vector<1x16xf32>,
        %get3A_309 = vector.shape_cast %get3A_308 : vector<1x16xf32> to vector<16xf32>
        %add3A_310 = arith.addf %scan3A_261, %get3A_309 : vector<16xf32>
        %add3A_311 = arith.constant 3 : i32
        %add3A_312 = arith.addi %add3A_266, %add3A_311 : i32
        %get3A_313 = arith.index_cast %add3A_312 : i32 to index
        %get3A_314 = arith.constant 16 : index
        %get3A_315 = tpu.vector_load %arg8[%get3A_313, %get3A_314] {strides = array<i32>} : memref<800x32xf32, #tpu.memory_space<vmem>>, vector<1x16xf32>,
        %get3A_316 = vector.shape_cast %get3A_315 : vector<1x16xf32> to vector<16xf32>
        %add3A_317 = arith.addf %scan3A_262, %get3A_316 : vector<16xf32>
        scf.yield %add3A_270, %add3A_275, %add3A_282, %add3A_289, %add3A_296, %add3A_303, %add3A_310, %add3A_317 : vector<16xf32>, vector<16xf32>, vector<16xf32>, vector<16xf32>, vector<16xf32>, vector<16xf32>, vector<16xf32>, vector<16xf32>
      }
      %scan3A_233 = arith.constant 50 : i32
      %add3A_234 = arith.addf %scan3A_232#0, %scan3A_232#2 : vector<16xf32>
      %add3A_235 = arith.addf %scan3A_232#4, %scan3A_232#6 : vector<16xf32>
      %add3A_236 = arith.addf %add3A_234, %add3A_235 : vector<16xf32>
      %add3A_237 = arith.addf %scan3A_232#1, %scan3A_232#3 : vector<16xf32>
      %add3A_238 = arith.addf %scan3A_232#5, %scan3A_232#7 : vector<16xf32>
      %add3A_239 = arith.addf %add3A_237, %add3A_238 : vector<16xf32>
      %mul3A_240 = arith.constant 4 : i32
      %mul3A_241 = arith.muli %add3A_141, %mul3A_240 : i32
      %add3A_242 = arith.constant 3 : i32
      %add3A_243 = arith.addi %mul3A_241, %add3A_242 : i32
      %swap3A_244 = arith.index_cast %add3A_243 : i32 to index
      %swap3A_245 = arith.constant 0 : index
      %swap3A_246 = tpu.vector_load %arg9[%swap3A_244, %swap3A_245] {strides = array<i32>} : memref<512x32xf32, #tpu.memory_space<vmem>>, vector<1x16xf32>,
      %swap3A_247 = vector.shape_cast %swap3A_246 : vector<1x16xf32> to vector<16xf32>
      %swap3A_248 = vector.shape_cast %add3A_236 : vector<16xf32> to vector<1x16xf32>
      tpu.vector_store %arg9[%swap3A_244, %swap3A_245], %swap3A_248 {strides = array<i32>} : memref<512x32xf32, #tpu.memory_space<vmem>>, vector<1x16xf32>,
      %swap3A_249 = arith.index_cast %add3A_243 : i32 to index
      %swap3A_250 = arith.constant 16 : index
      %swap3A_251 = tpu.vector_load %arg9[%swap3A_249, %swap3A_250] {strides = array<i32>} : memref<512x32xf32, #tpu.memory_space<vmem>>, vector<1x16xf32>,
      %swap3A_252 = vector.shape_cast %swap3A_251 : vector<1x16xf32> to vector<16xf32>
      %swap3A_253 = vector.shape_cast %add3A_239 : vector<16xf32> to vector<1x16xf32>
      tpu.vector_store %arg9[%swap3A_249, %swap3A_250], %swap3A_253 {strides = array<i32>} : memref<512x32xf32, #tpu.memory_space<vmem>>, vector<1x16xf32>,
    }
    %scan3A_11 = arith.constant 64 : i32
    "tpu.region"() ({
      %run_scoped3A = tpu.sem_alloc : memref<!tpu.dma_semaphore, #tpu.memory_space<semaphore_mem>>
      %dma_start3A_12 = arith.constant 0 : i32
      %dma_start3A_13 = tpu.memref_slice %arg4[%mul3A_2, %dma_start3A_12] : memref<16384x32xf32, #tpu.memory_space<hbm>> -> memref<512x32xf32, #tpu.memory_space<hbm>>
      %dma_start3A_14 = arith.constant 0 : i32
      %dma_start3A_15 = tpu.memref_slice %arg4[%mul3A_2, %dma_start3A_14] : memref<16384x32xf32, #tpu.memory_space<hbm>> -> memref<512x32xf32, #tpu.memory_space<hbm>>
      tpu.enqueue_dma source(%arg9 : memref<512x32xf32, #tpu.memory_space<vmem>>) target(%dma_start3A_15 : memref<512x32xf32, #tpu.memory_space<hbm>>) target_semaphore(%run_scoped3A : memref<!tpu.dma_semaphore, #tpu.memory_space<semaphore_mem>>)
      %dma_wait3A = arith.constant 0 : i32
      %dma_wait3A_16 = tpu.memref_slice %arg4[%mul3A_2, %dma_wait3A] : memref<16384x32xf32, #tpu.memory_space<hbm>> -> memref<512x32xf32, #tpu.memory_space<hbm>>
      %dma_wait3A_17 = arith.constant 0 : i32
      %dma_wait3A_18 = tpu.memref_slice %arg4[%mul3A_2, %dma_wait3A_17] : memref<16384x32xf32, #tpu.memory_space<hbm>> -> memref<512x32xf32, #tpu.memory_space<hbm>>
      tpu.wait_dma2 semaphore(%run_scoped3A : memref<!tpu.dma_semaphore, #tpu.memory_space<semaphore_mem>>) src(%arg9 : memref<512x32xf32, #tpu.memory_space<vmem>>) dst(%dma_wait3A_18 : memref<512x32xf32, #tpu.memory_space<hbm>>)
      tpu.yield
    }) : () -> ()
    return
  }
}

module attributes {stable_mosaic.version = 14 : i64} {
  func.func @_tc_head(%arg0: i32, %arg1: memref<2048x32xf32, #tpu.memory_space<vmem>>, %arg2: memref<32x10xf32, #tpu.memory_space<vmem>>, %arg3: memref<1x10xf32, #tpu.memory_space<vmem>>, %arg4: memref<2048x10xf32, #tpu.memory_space<vmem>>) attributes {dimension_semantics = [#tpu.dimension_semantics<arbitrary>], iteration_bounds = array<i64: 8>, scalar_prefetch = 0 : i64, scratch_operands = 0 : i64, tpu.core_type = #tpu.core_type<tc>, window_params = [{transform_indices = @transform_0, window_bounds = array<i64: 2048, 32>}, {pipeline_mode = #tpu.pipeline_mode<synchronous>, transform_indices = @transform_1, window_bounds = array<i64: 32, 10>}, {pipeline_mode = #tpu.pipeline_mode<synchronous>, transform_indices = @transform_2, window_bounds = array<i64: 1, 10>}, {transform_indices = @transform_3, window_bounds = array<i64: 2048, 10>}]} {
    %get3A = arith.constant 0 : index
    %get3A_0 = arith.constant 0 : index
    %get3A_1 = vector.load %arg1[%get3A, %get3A_0] : memref<2048x32xf32, #tpu.memory_space<vmem>>, vector<2048x32xf32>
    %mul3A = arith.constant 5.000000e-03 : f32
    %mul3A_2 = vector.broadcast %mul3A : f32 to vector<2048x32xf32>
    %mul3A_3 = arith.mulf %get3A_1, %mul3A_2 : vector<2048x32xf32>
    %get3A_4 = arith.constant 0 : index
    %get3A_5 = arith.constant 0 : index
    %get3A_6 = vector.load %arg2[%get3A_4, %get3A_5] : memref<32x10xf32, #tpu.memory_space<vmem>>, vector<32x10xf32>
    %dot_general3A = arith.constant dense<0.000000e+00> : vector<2048x10xf32>
    %dot_general3A_7 = tpu.matmul %mul3A_3, %get3A_6, %dot_general3A {dimension_numbers = #tpu.dot_dimension_numbers<[1], [0], [0], [1], [0, 0, 1, 1], [], []>, transpose_lhs_hint = false} : vector<2048x32xf32>, vector<32x10xf32>, vector<2048x10xf32> -> vector<2048x10xf32>
    %get3A_8 = arith.constant 0 : index
    %get3A_9 = arith.constant 0 : index
    %get3A_10 = vector.load %arg3[%get3A_8, %get3A_9] : memref<1x10xf32, #tpu.memory_space<vmem>>, vector<1x10xf32>
    %add3A = vector.broadcast %get3A_10 : vector<1x10xf32> to vector<2048x10xf32>
    %add3A_11 = arith.addf %dot_general3A_7, %add3A : vector<2048x10xf32>
    %reduce_max3A = arith.constant dense<0xFF800000> : vector<2048xf32>
    %reduce_max3A_12 = vector.multi_reduction <maximumf>, %add3A_11, %reduce_max3A [1] : vector<2048x10xf32> to vector<2048xf32>
    %broadcast_in_dim3A = vector.shape_cast %reduce_max3A_12 : vector<2048xf32> to vector<2048x1xf32>
    %sub3A = vector.broadcast %broadcast_in_dim3A : vector<2048x1xf32> to vector<2048x10xf32>
    %sub3A_13 = arith.subf %add3A_11, %sub3A : vector<2048x10xf32>
    %exp3A = math.exp %sub3A_13 : vector<2048x10xf32>
    %reduce_sum3A = arith.constant dense<0.000000e+00> : vector<2048xf32>
    %reduce_sum3A_14 = vector.multi_reduction <add>, %exp3A, %reduce_sum3A [1] : vector<2048x10xf32> to vector<2048xf32>
    %broadcast_in_dim3A_15 = vector.shape_cast %reduce_sum3A_14 : vector<2048xf32> to vector<2048x1xf32>
    %div3A = vector.broadcast %broadcast_in_dim3A_15 : vector<2048x1xf32> to vector<2048x10xf32>
    %div3A_16 = arith.divf %exp3A, %div3A : vector<2048x10xf32>
    %swap3A = arith.constant 0 : index
    %swap3A_17 = arith.constant 0 : index
    %swap3A_18 = vector.load %arg4[%swap3A, %swap3A_17] : memref<2048x10xf32, #tpu.memory_space<vmem>>, vector<2048x10xf32>
    tpu.vector_store %arg4[%swap3A, %swap3A_17], %div3A_16 {strides = array<i32>} : memref<2048x10xf32, #tpu.memory_space<vmem>>, vector<2048x10xf32>,
    return
  }
  func.func @transform_0(%arg0: i32) -> (i32, i32) {
    %c0_i32 = arith.constant 0 : i32
    %c0_i32_0 = arith.constant 0 : i32
    return %arg0, %c0_i32 : i32, i32
  }
  func.func @transform_1(%arg0: i32) -> (i32, i32) {
    %c0_i32 = arith.constant 0 : i32
    %c0_i32_0 = arith.constant 0 : i32
    %c0_i32_1 = arith.constant 0 : i32
    return %c0_i32, %c0_i32_0 : i32, i32
  }
  func.func @transform_2(%arg0: i32) -> (i32, i32) {
    %c0_i32 = arith.constant 0 : i32
    %c0_i32_0 = arith.constant 0 : i32
    %c0_i32_1 = arith.constant 0 : i32
    return %c0_i32, %c0_i32_0 : i32, i32
  }
  func.func @transform_3(%arg0: i32) -> (i32, i32) {
    %c0_i32 = arith.constant 0 : i32
    %c0_i32_0 = arith.constant 0 : i32
    return %arg0, %c0_i32 : i32, i32
  }
}

</mosaic_0001>

<sc_bundles>
// kernel: kernel.4.cloned.1.call-start
scs
__scs_entry_jumppad:
0x0: {  	(pc) =	sbr.rel $0x88, $3  }
0x1: {  	(tag) =	ssettag $0x0;
	lr =	simm.s32 $0x1  }
0x2: {  	[smem:$0x3F9D] =	sst lr;
	_ =	strace $0xD0000000  }
0x3: {  	_ = 	snop  }
0x4: {  	_ = 	snop  }
0x5: {  	_ = 	snop  }
0x6: {  	_ = 	snop  }
0x7: {  	_ = 	snop  }
__scs_overlays_trampoline_lowered:
0x8: {  	[smem:$0x3FAC] =	sst s0  }
0x9: {  	[smem:$0x3FAD] =	sst s1  }
0xa: {  	[smem:$0x3FAE] =	sst s2  }
0xb: {  	[smem:$0x3FAF] =	sst s3  }
0xc: {  	[smem:$0x3FB0] =	sst s4  }
0xd: {  	[smem:$0x3FB1] =	sst s5  }
0xe: {  	[smem:$0x3FB2] =	sst s6  }
0xf: {  	[smem:$0x3FB3] =	sst s7  }
0x10: {  	[smem:$0x3FB4] =	sst s8  }
0x11: {  	[smem:$0x3FB5] =	sst s9;
	s0 =	simm.s32 @!p0 $0x0  }
0x12: {  	s1 =	sld [smem:$0x3F9B];
	s0 =	simm.s32 @p0 $0x1  }
0x13: {  	[smem:$0x3FB6] =	sst s0;
	s0 =	simm.s32 @!p1 $0x0  }
0x14: {  	s2 =	sld [smem:$0x3F9A];
	s0 =	simm.s32 @p1 $0x1  }
0x15: {  	[smem:$0x3FB7] =	sst s0;
	s0 =	simm.s32 @!p2 $0x0  }
0x16: {  	s3 =	sld [smem:$0x3FDB];
	s0 =	simm.s32 @p2 $0x1  }
0x17: {  	s4 =	simm.s32 $0x1BF5;
	[smem:$0x3FB9] =	sst s0  }
0x18: {  	s0 =	sld [smem:$0x3F9C];
	_ =	swait.ge [sflag:s4], $0x0  }
0x19: {  	s7 =	sld [smem:$0x3F9D]  }
0x1a: {  	s8 =	sadd.s32 $0xFFFFE003, lr  }
0x1b: {  	s9 =	sadd.s32 $0xFFFFFEF7, lr;
	s5 =	simm.s32 $0xFFFFFFFF;
	p2 =	slt.u32 s8, $0xFFFFF086  }
0x1c: {  	p1 =	slt.u32 s9, $0xF7A;
	s5 =	simm.s32 @!p2 $0x0  }
0x1d: {  	s5 =	simm.s32 @p1 $0x1;
	p0 =	seq.s32 s7, s2  }
0x1e: {  	s7 =	smul.u32 @!p0 $0xF7A, s2;
	p2 =	seq.s32 @!p0 s5, $0x0  }
0x1f: {  	s9 =	smul.u32 $0xF7A, s1;
	s8 =	simm.s32 @!p0 $0x1BF5;
	p2 =	por !p2, p0  }
0x20: {  	[sflag:s8] =	ssyncset.s32 @!p0 $0xFFFFF086;
	s6 =	sadd.s32 @!p0 s3, s7;
	s7 =	simm.s32 @!p0 $0x108  }
0x21: {  	s3 =	sadd.s32 s3, s9;
	s6 =	sadd.s32 @!p0 $0x88, s6;
	s7 =	simm.s32 @p2 $0x1082  }
0x22: {  	[simem:s7], [sflag:s8] =	dma.local @!p0 [hbm:s6], $0xF7A  }
0x23: {  	s9 =	sor.u32 $0xD0000000, s2;
	s6 =	simm.s32 $0x108;
	_ =	swait.ge @!p0 [sflag:s8], $0x0  }
0x24: {  	s3 =	sadd.s32 $0x88, s3;
	s6 =	simm.s32 @!p1 $0x1082;
	[sflag:s4] =	ssyncset.s32 $0xFFFFF086  }
0x25: {  	[simem:s6], [sflag:s4] =	dma.local [hbm:s3], $0xF7A  }
0x26: {  	[smem:$0x3F9D] =	sst s1;
	(tag) =	ssettag s2;
	_ =	strace s9  }
0x27: {  	s1 =	sld [smem:$0x3FAD]  }
0x28: {  	s2 =	sld [smem:$0x3FAE]  }
0x29: {  	s4 =	sld [smem:$0x3FB0]  }
0x2a: {  	p0 =	seq.s32 s5, $0x0;
	s5 =	sld [smem:$0x3FB1]  }
0x2b: {  	s6 =	sld [smem:$0x3FB2]  }
0x2c: {  	s7 =	sld [smem:$0x3FB3]  }
0x2d: {  	s3 =	simm.s32 $0x108;
	s8 =	sld [smem:$0x3FB4]  }
0x2e: {  	s3 =	simm.s32 @!p0 $0x1082;
	s9 =	sld [smem:$0x3FB5]  }
0x2f: {  	lr =	sadd.s32 s0, s3;
	s0 =	sld [smem:$0x3FAC]  }
0x30: {  	s3 =	sld [smem:$0x3FAF]  }
0x31: {  	[smem:$0x3FB8] =	sst s10  }
0x32: {  	s10 =	sld [smem:$0x3FB6];
	_ =	sdelay $0x3  }
0x33: {  	p0 =	seq.s32 s10, $0x1;
	s10 =	sld [smem:$0x3FB8];
	_ =	sdelay $0x3  }
0x34: {  	[smem:$0x3FB8] =	sst s10  }
0x35: {  	s10 =	sld [smem:$0x3FB7];
	_ =	sdelay $0x3  }
0x36: {  	p1 =	seq.s32 s10, $0x1;
	s10 =	sld [smem:$0x3FB8];
	_ =	sdelay $0x3  }
0x37: {  	[smem:$0x3FB8] =	sst s10  }
0x38: {  	s10 =	sld [smem:$0x3FB9]  }
0x39: {  	_ = 	snop;
	(pc) =	sbr.ind lr, $3  }
0x3a: {  	_ = 	snop  }
0x3b: {  	_ = 	snop  }
0x3c: {  	p2 =	seq.s32 s10, $0x1;
	s10 =	sld [smem:$0x3FB8]  }
0x3d: {  	_ =	shalt  }
0x3e: {  	_ =	shalt  }
0x3f: {  	_ =	shalt  }
0x40: {  	_ =	shalt  }
0x41: {  	_ =	shalt  }
0x42: {  	_ =	shalt  }
0x43: {  	_ =	shalt  }
0x44: {  	_ =	shalt  }
0x45: {  	_ =	shalt  }
0x46: {  	_ =	shalt  }
0x47: {  	_ =	shalt  }
0x48: {  	_ =	shalt  }
0x49: {  	_ =	shalt  }
0x4a: {  	_ =	shalt  }
0x4b: {  	_ =	shalt  }
0x4c: {  	_ =	shalt  }
0x4d: {  	_ =	shalt  }
0x4e: {  	_ =	shalt  }
0x4f: {  	_ =	shalt  }
0x50: {  	_ =	shalt  }
0x51: {  	_ =	shalt  }
0x52: {  	_ =	shalt  }
0x53: {  	_ =	shalt  }
0x54: {  	_ =	shalt  }
0x55: {  	_ =	shalt  }
0x56: {  	_ =	shalt  }
0x57: {  	_ =	shalt  }
0x58: {  	_ =	shalt  }
0x59: {  	_ =	shalt  }
0x5a: {  	_ =	shalt  }
0x5b: {  	_ =	shalt  }
0x5c: {  	_ =	shalt  }
0x5d: {  	_ =	shalt  }
0x5e: {  	_ =	shalt  }
0x5f: {  	_ =	shalt  }
0x60: {  	_ =	shalt  }
0x61: {  	_ =	shalt  }
0x62: {  	_ =	shalt  }
0x63: {  	_ =	shalt  }
0x64: {  	_ =	shalt  }
0x65: {  	_ =	shalt  }
0x66: {  	_ =	shalt  }
0x67: {  	_ =	shalt  }
0x68: {  	_ =	shalt  }
0x69: {  	_ =	shalt  }
0x6a: {  	_ =	shalt  }
0x6b: {  	_ =	shalt  }
0x6c: {  	_ =	shalt  }
0x6d: {  	_ =	shalt  }
0x6e: {  	_ =	shalt  }
0x6f: {  	_ =	shalt  }
0x70: {  	_ =	shalt  }
0x71: {  	_ =	shalt  }
0x72: {  	_ =	shalt  }
0x73: {  	_ =	shalt  }
0x74: {  	_ =	shalt  }
0x75: {  	_ =	shalt  }
0x76: {  	_ =	shalt  }
0x77: {  	_ =	shalt  }
0x78: {  	_ =	shalt  }
0x79: {  	_ =	shalt  }
0x7a: {  	_ =	shalt  }
0x7b: {  	_ =	shalt  }
0x7c: {  	_ =	shalt  }
0x7d: {  	_ =	shalt  }
0x7e: {  	_ =	shalt  }
0x7f: {  	_ =	shalt  }
0x80: {  	_ =	shalt  }
0x81: {  	_ =	shalt  }
0x82: {  	_ =	shalt  }
0x83: {  	_ =	shalt  }
0x84: {  	_ =	shalt  }
0x85: {  	_ =	shalt  }
0x86: {  	_ =	shalt  }
0x87: {  	_ =	shalt  }
.Lfunc_end0:
.L_simem_size_0:
called_computation_lowered:
.L_overlay_start_0:
0x88: {  	s2 =	sld [smem:$0x3FD9]  }
0x89: {  	s3 =	sld [smem:$0x3FFE];
	_ =	sdelay $0x1  }
0x8a: {  	s1 =	srdreg.scid  }
0x8b: {  	s0 =	sand.u32 $0x1, s1  }
0x8c: {  	s16 =	sshll.u32 s0, $0xA;
	s2 =	sadd.s32 s3, s2  }
0x8d: {  	s2 =	sadd.s32 s2, s16  }
0x8e: {  	[smem:$0x3FC4] =	sst s2  }
0x8f: {  	_ = 	snop  }
0x90: {  	(tm) =	ssettm $0x1  }
0x91: {  	s17 =	sld [smem:$0x3FFB];
	_ =	sdelay $0x3  }
0x92: {  	_ =	strace s17  }
0x93: {  	s2 =	sld [smem:$0x3FFC];
	_ =	sdelay $0x3  }
0x94: {  	_ =	strace s2  }
0x95: {  	s2 =	sld [smem:$0x3FFD];
	_ =	sdelay $0x3  }
0x96: {  	_ =	strace s2  }
0x97: {  	_ =	strace $0x8FFFFFFF  }
0x98: {  	s18 =	sld [smem:$0x3FDB];
	_ =	sdelay $0x1  }
0x99: {  	s19 =	simm.s32 $_scs_section_size  }
0x9a: {  	s4 =	simm.s32 $_size__tile_overlayer_lowered;
	s5 =	simm.s32 $_tile_overlayer_lowered  }
0x9b: {  	s22 =	simm.s32 $0x1BFF;
	s21 =	sshll.u32 s5, $0x1;
	s2 =	sadd.s32 s19, s18  }
0x9c: {  	s6 =	simm.s32 $0x0;
	s20 =	sshll.u32 s4, $0x1;
	s4 =	sadd.s32 s21, s2  }
0x9d: {  	[timem:s6], [sflag:s22] =	dma.local [hbm:s4], s20  }
0x9e: {  	_ =	swait.ge [sflag:s22], s20  }
0x9f: {  	s3 =	ssub.s32 $0x0, s20;
	[sflag:s22] =	ssyncset.done $0x0  }
0xa0: {  	[sflag:s22] =	ssyncadd.s32 s3;
	_ =	sdelay $0x1  }
0xa1: {  	s23 =	simm.s32 $0x1B8B  }
0xa2: {  	_ =	swait.ge [sflag:s23], $0x1  }
0xa3: {  	[sflag:s23] =	ssyncset.done $0x0  }
0xa4: {  	s25 =	simm.s32 $0x1B8E;
	s24 =	sld [smem:$0x3FFE];
	[sflag:s23] =	ssyncadd.s32 $0xFFFFFFFF  }
0xa5: {  	s26 =	simm.s32 $execute0_lowered;
	[smem:$0x3FD2] =	sst s25  }
0xa6: {  	s4 =	sshll.u32 s26, $0x1;
	_ =	strace $0x80000046;
	[dreg:$0x1] =	wrdreg $0xFFFFFFFF  }
0xa7: {  	s28 =	simm.s32 $_size_execute0_lowered;
	s2 =	sadd.s32 s2, s4;
	[dreg:$0x0] =	wrdreg $0x0  }
0xa8: {  	s4 =	sshll.u32 s28, $0x1;
	[dreg:$0x2] =	wrdreg s2  }
0xa9: {  	[dreg:$0x3] =	wrdreg s4  }
0xaa: {  	[dreg:$0x4] =	wrdreg $0xC0  }
0xab: {  	_ =	task [dreg:s6], $0x5FFFF  }
0xac: {  	[dreg:$0x1] =	wrdreg $0xFFFFFFFF  }
0xad: {  	[dreg:$0x0] =	wrdreg $0x60  }
0xae: {  	[dreg:$0x2] =	wrdreg s24  }
0xaf: {  	[dreg:$0x3] =	wrdreg $0x9  }
0xb0: {  	_ =	task.clear_ibuf [dreg:s6], $0x4FFFF;
	_ =	strace $0x90000046  }
0xb1: {  	s29 =	simm.s32 $0x9;
	_ =	strace $0x80000048  }
0xb2: {  	_ =	swait.ge [sflag:s29], $0x1  }
0xb3: {  	[sflag:s29] =	ssyncadd.s32 $0xFFFFFFFF  }
0xb4: {  	_ =	strace $0x90000048  }
0xb5: {  	_ =	sfence  }
0xb6: {  	s30 =	sld [smem:$0x0];
	_ =	sdelay $0x2  }
0xb7: {  	s31 =	sshll.u32 s1, $0xD;
	s1 =	sshrl.u32 s1, $0x2  }
0xb8: {  	s3 =	sand.u32 $0x4000, s31;
	s1 =	sadd.s32 s1, s30  }
0xb9: {  	s0 =	sor.u32 s3, s0;
	s1 =	sshll.u32 s1, $0x11  }
0xba: {  	s0 =	sor.u32 s1, s0  }
0xbb: {  	s0 =	sadd.s32 $0x8F2B, s0  }
0xbc: {  	[sflag:s0] =	ssyncadd.remote.s32 $0x1  }
0xbd: {  	_ =	sfence.sel $0xFFFF  }
0xbe: {  	[dreg:$0x0] =	wrdreg $0xFFFFFFFF;
	(pc) =	sbr.abs _section_cstart, $3  }
0xbf: {  	[dreg:$0x1] =	wrdreg $0xFFFFFFFF  }
0xc0: {  	_ =	task.clear_ibuf [dreg:s6], $0x2FFFF;
	_ =	strace $0x9FFFFFFF  }
0xc1: {  	(tm) =	ssettm $0x7FFFFFFF  }
tec
execute0_lowered:
.L_overlay_start_1:
0x0: {  	(tag) =	ssettag $0x1  }
0x1: {  	s6 =	rddreg [dreg:$0x0]  }
0x2: {  	s0 =	rddreg [dreg:$0x1];
	s2 =	simm.s32 $0x0;
	s3 =	srdreg.scid  }
0x3: {  	s1 =	stileid.u32;
	s11 =	simm.s32 $0x320;
	s12 =	simm.s32 $0x640  }
0x4: {  	s13 =	simm.s32 $0x6A40;
	s14 =	simm.s32 $0x1;
	s15 =	simm.s32 $0x2  }
0x5: {  	s16 =	simm.s32 $0xCE40;
	s17 =	simm.s32 $0x0;
	[smem:$0x7FF] =	sst s2  }
0x6: {  	s4 =	sand.u32 $0x1, s3;
	s30 =	sshll.u32 s1, $0x1;
	s3 =	sadd.s32 $0xA00, s6  }
0x7: {  	s5 =	sadd.s32 $0xF42E00, s6;
	s7 =	sor.u32 s4, s30;
	s8 =	ssub.s32 $0x2, s4  }
0x8: {  	s4 =	smul.u32 $0x19000, s7;
	s7 =	sshll.u32 s7, $0xB;
	s9 =	sshrl.u32 s8, $0x1  }
0x9: {  	_ =	strace $0x80000047;
	s10 =	sadd.s32 s7, s6;
	s9 =	ssub.s32 s8, s9  }
0xa: {  	s31 =	sshrl.u32 s4, $0x3;
	s7 =	sor.u32 $0x640, s4;
	s8 =	sadd.s32 $0x64A00, s10  }
0xb: {  	s9 =	smax.u32 s9, $0x1;
	s10 =	simm.s32 $0x3;
	s6 =	sadd.s32 s3, s31  }
.LBB2_1:
0xc: {  	[tilespmem:s2], [sflag:$0x3] =	stream.linear.gather [hbm4b:s6+s2], $0x320, $0x38;
	[tilespmem:$0x10E40] =	vst v63  }
0xd: {  	_ =	swait.ge [sflag:s10], $0x320  }
0xe: {  	[sflag:s10] =	ssyncset.done $0x0  }
0xf: {  	s18 =	simm.s32 $0x0;
	[sflag:s10] =	ssyncadd.s32 $0xFFFFFCE0  }
0x10: {  	[tilespmem:s12], [sflag:$0x1] =	stream.indirect.gather [hbm4b:s5+s11], $0x20, s2, s11, $0xb8;
	[tilespmem:$0x10E40] =	vst v63  }
.LBB2_2:
0x11: {  	s19 =	sshllo.u32 s18, $0x1  }
0x12: {  	s20 =	smul.u32 $0x320, s19;
	_ =	sdelay $0x1  }
0x13: {  	s20 =	sadd.s32 s4, s20  }
0x14: {  	s20 =	sshrl.u32 s20, $0x3  }
0x15: {  	s21 =	simm.s32 $0x0;
	s20 =	sadd.s32 s3, s20  }
0x16: {  	[tilespmem:s11], [sflag:$0x3] =	stream.linear.gather [hbm4b:s20+s21], $0x320, $0x38;
	[tilespmem:$0x10E40] =	vst v63  }
0x17: {  	_ =	swait.ge [sflag:s10], $0x320  }
0x18: {  	[sflag:s10] =	ssyncset.done $0x0  }
0x19: {  	[sflag:s10] =	ssyncadd.s32 $0xFFFFFCE0  }
0x1a: {  	[tilespmem:s13], [sflag:$0x2] =	stream.indirect.gather [hbm4b:s5+s11], $0x20, s11, s11, $0xb8;
	[tilespmem:$0x10E40] =	vst v63  }
0x1b: {  	_ =	swait.ge [sflag:s14], $0x6400  }
0x1c: {  	[sflag:s14] =	ssyncset.done $0x0  }
0x1d: {  	s22 =	simm.s32 $0x0;
	[sflag:s14] =	ssyncadd.s32 $0xFFFF9C00  }
0x1e: {  	v0 =	vld [tilespmem:s22+$0x6B0]  }
0x1f: {  	v1 =	vld [tilespmem:s22+$0x640]  }
0x20: {  	v2 =	vld [tilespmem:s22+$0x650]  }
0x21: {  	v5 =	vld [tilespmem:s22+$0x660]  }
0x22: {  	v6 =	vld [tilespmem:s22+$0x670]  }
0x23: {  	v3 =	vimm.f32 $0.0e+00;
	v4 =	vimm.f32 $0.0e+00;
	v7 =	vld [tilespmem:s22+$0x680]  }
0x24: {  	v10 =	vimm.f32 $0.0e+00;
	v8 =	vimm.f32 $0.0e+00;
	v11 =	vld [tilespmem:s22+$0x690];
	v0 =	vadd.f32 v0, v3  }
0x25: {  	v9 =	vimm.f32 $0.0e+00;
	s20 =	simm.s32 $0x80;
	s21 =	simm.s32 $0x400;
	v12 =	vld [tilespmem:s22+$0x6A0];
	v1 =	vadd.f32 v1, v3;
	v2 =	vadd.f32 v2, v3  }
.LBB2_3:
0x26: {  	p0 =	sne.s32 s21, $0x6200;
	v13 =	vld [tilespmem:s20+$0x6B0];
	v3 =	vadd.f32 v5, v3  }
0x27: {  	v14 =	vld [tilespmem:s20+$0x640];
	v4 =	vadd.f32 v6, v4  }
0x28: {  	v15 =	vld [tilespmem:s20+$0x650];
	v10 =	vadd.f32 v7, v10  }
.Ltmp0:
0x29: {  	v5 =	vld [tilespmem:s20+$0x660];
	v8 =	vadd.f32 v11, v8;
	(pc) =	sbr.rel @p0 .LBB2_3-.Ltmp0, $4  }
0x2a: {  	v6 =	vld [tilespmem:s20+$0x670];
	v9 =	vadd.f32 v12, v9  }
0x2b: {  	v7 =	vld [tilespmem:s20+$0x680];
	v0 =	vadd.f32 v13, v0  }
0x2c: {  	v1 =	vadd.f32 v14, v1;
	v11 =	vld [tilespmem:s20+$0x690]  }
0x2d: {  	v2 =	vadd.f32 v15, v2;
	v12 =	vld [tilespmem:s20+$0x6A0];
	s20 =	sshra.s32 s21, $0x2;
	s21 =	sadd.s32 $0x200, s21  }
0x2e: {  	v13 =	vld [tilespmem:s20+$0x6B0]  }
0x2f: {  	v14 =	vld [tilespmem:s20+$0x640]  }
0x30: {  	v15 =	vld [tilespmem:s20+$0x650]  }
0x31: {  	v16 =	vld [tilespmem:s20+$0x660]  }
0x32: {  	v17 =	vld [tilespmem:s20+$0x670]  }
0x33: {  	v18 =	vld [tilespmem:s20+$0x680]  }
0x34: {  	v3 =	vadd.f32 v5, v3;
	v5 =	vld [tilespmem:s20+$0x6A0]  }
0x35: {  	v4 =	vadd.f32 v6, v4;
	v6 =	vadd.f32 v7, v10;
	v7 =	vld [tilespmem:s20+$0x690]  }
0x36: {  	v8 =	vadd.f32 v11, v8;
	v9 =	vadd.f32 v12, v9  }
0x37: {  	v0 =	vadd.f32 v13, v0;
	v1 =	vadd.f32 v14, v1  }
0x38: {  	v2 =	vadd.f32 v15, v2;
	v3 =	vadd.f32 v16, v3  }
0x39: {  	v6 =	vadd.f32 v18, v6;
	v5 =	vadd.f32 v5, v9  }
0x3a: {  	v4 =	vadd.f32 v17, v4;
	v7 =	vadd.f32 v7, v8  }
0x3b: {  	v1 =	vadd.f32 v3, v1;
	v3 =	vadd.f32 v5, v6  }
0x3c: {  	v2 =	vadd.f32 v4, v2;
	v0 =	vadd.f32 v0, v7  }
0x3d: {  	s31 =	sshll.u32 s18, $0x8;
	v1 =	vadd.f32 v3, v1  }
0x3e: {  	s20 =	sand.u32 $0x3FFFFF00, s31;
	v0 =	vadd.f32 v0, v2  }
0x3f: {  	[tilespmem:s20+$0xCE40] =	vst v1  }
0x40: {  	s23 =	simm.s32 $0x0;
	[tilespmem:s20+$0xCE50] =	vst v0  }
0x41: {  	v0 =	vld [tilespmem:s23+$0x1FB0]  }
0x42: {  	v1 =	vld [tilespmem:s23+$0x1F40]  }
0x43: {  	v2 =	vld [tilespmem:s23+$0x1F50]  }
0x44: {  	v5 =	vld [tilespmem:s23+$0x1F60]  }
0x45: {  	v6 =	vld [tilespmem:s23+$0x1F70]  }
0x46: {  	v10 =	vimm.f32 $0.0e+00;
	v3 =	vimm.f32 $0.0e+00;
	v7 =	vld [tilespmem:s23+$0x1F80]  }
0x47: {  	v9 =	vimm.f32 $0.0e+00;
	v4 =	vimm.f32 $0.0e+00;
	v11 =	vld [tilespmem:s23+$0x1F90];
	v0 =	vadd.f32 v0, v3  }
0x48: {  	s21 =	simm.s32 $0x80;
	s22 =	simm.s32 $0x400;
	v8 =	vimm.f32 $0.0e+00;
	v12 =	vld [tilespmem:s23+$0x1FA0];
	v1 =	vadd.f32 v1, v3;
	v2 =	vadd.f32 v2, v3  }
.LBB2_5:
0x49: {  	p0 =	sne.s32 s22, $0x6200;
	v13 =	vld [tilespmem:s21+$0x1FB0];
	v3 =	vadd.f32 v5, v3  }
0x4a: {  	v14 =	vld [tilespmem:s21+$0x1F40];
	v4 =	vadd.f32 v6, v4  }
0x4b: {  	v15 =	vld [tilespmem:s21+$0x1F50];
	v10 =	vadd.f32 v7, v10  }
.Ltmp1:
0x4c: {  	v5 =	vld [tilespmem:s21+$0x1F60];
	v8 =	vadd.f32 v11, v8;
	(pc) =	sbr.rel @p0 .LBB2_5-.Ltmp1, $4  }
0x4d: {  	v6 =	vld [tilespmem:s21+$0x1F70];
	v9 =	vadd.f32 v12, v9  }
0x4e: {  	v7 =	vld [tilespmem:s21+$0x1F80];
	v0 =	vadd.f32 v13, v0  }
0x4f: {  	v1 =	vadd.f32 v14, v1;
	v11 =	vld [tilespmem:s21+$0x1F90]  }
0x50: {  	v2 =	vadd.f32 v15, v2;
	v12 =	vld [tilespmem:s21+$0x1FA0];
	s21 =	sshra.s32 s22, $0x2;
	s22 =	sadd.s32 $0x200, s22  }
0x51: {  	v13 =	vld [tilespmem:s21+$0x1FB0]  }
0x52: {  	v14 =	vld [tilespmem:s21+$0x1F40]  }
0x53: {  	v15 =	vld [tilespmem:s21+$0x1F50]  }
0x54: {  	v16 =	vld [tilespmem:s21+$0x1F60]  }
0x55: {  	v17 =	vld [tilespmem:s21+$0x1F70]  }
0x56: {  	v18 =	vld [tilespmem:s21+$0x1F80]  }
0x57: {  	v3 =	vadd.f32 v5, v3;
	v5 =	vld [tilespmem:s21+$0x1FA0]  }
0x58: {  	v4 =	vadd.f32 v6, v4;
	v6 =	vadd.f32 v7, v10;
	v7 =	vld [tilespmem:s21+$0x1F90]  }
0x59: {  	v8 =	vadd.f32 v11, v8;
	v9 =	vadd.f32 v12, v9  }
0x5a: {  	v0 =	vadd.f32 v13, v0;
	v1 =	vadd.f32 v14, v1  }
0x5b: {  	v2 =	vadd.f32 v15, v2;
	v3 =	vadd.f32 v16, v3  }
0x5c: {  	v6 =	vadd.f32 v18, v6;
	v5 =	vadd.f32 v5, v9  }
0x5d: {  	v4 =	vadd.f32 v17, v4;
	v7 =	vadd.f32 v7, v8  }
0x5e: {  	v1 =	vadd.f32 v3, v1;
	v3 =	vadd.f32 v5, v6  }
0x5f: {  	v2 =	vadd.f32 v4, v2;
	v0 =	vadd.f32 v0, v7  }
0x60: {  	v1 =	vadd.f32 v3, v1  }
0x61: {  	v0 =	vadd.f32 v0, v2  }
0x62: {  	[tilespmem:s20+$0xCE60] =	vst v1  }
0x63: {  	s23 =	simm.s32 $0x0;
	[tilespmem:s20+$0xCE70] =	vst v0  }
0x64: {  	v0 =	vld [tilespmem:s23+$0x38B0]  }
0x65: {  	v1 =	vld [tilespmem:s23+$0x3840]  }
0x66: {  	v2 =	vld [tilespmem:s23+$0x3850]  }
0x67: {  	v5 =	vld [tilespmem:s23+$0x3860]  }
0x68: {  	v6 =	vld [tilespmem:s23+$0x3870]  }
0x69: {  	v10 =	vimm.f32 $0.0e+00;
	v3 =	vimm.f32 $0.0e+00;
	v7 =	vld [tilespmem:s23+$0x3880]  }
0x6a: {  	v9 =	vimm.f32 $0.0e+00;
	v4 =	vimm.f32 $0.0e+00;
	v11 =	vld [tilespmem:s23+$0x3890];
	v0 =	vadd.f32 v0, v3  }
0x6b: {  	s22 =	simm.s32 $0x400;
	s21 =	simm.s32 $0x80;
	v8 =	vimm.f32 $0.0e+00;
	v12 =	vld [tilespmem:s23+$0x38A0];
	v1 =	vadd.f32 v1, v3;
	v2 =	vadd.f32 v2, v3  }
.LBB2_7:
0x6c: {  	p0 =	sne.s32 s22, $0x6200;
	v13 =	vld [tilespmem:s21+$0x38B0];
	v3 =	vadd.f32 v5, v3  }
0x6d: {  	v14 =	vld [tilespmem:s21+$0x3840];
	v4 =	vadd.f32 v6, v4  }
0x6e: {  	v15 =	vld [tilespmem:s21+$0x3850];
	v10 =	vadd.f32 v7, v10  }
.Ltmp2:
0x6f: {  	v5 =	vld [tilespmem:s21+$0x3860];
	v8 =	vadd.f32 v11, v8;
	(pc) =	sbr.rel @p0 .LBB2_7-.Ltmp2, $4  }
0x70: {  	v6 =	vld [tilespmem:s21+$0x3870];
	v9 =	vadd.f32 v12, v9  }
0x71: {  	v7 =	vld [tilespmem:s21+$0x3880];
	v0 =	vadd.f32 v13, v0  }
0x72: {  	v1 =	vadd.f32 v14, v1;
	v11 =	vld [tilespmem:s21+$0x3890]  }
0x73: {  	v2 =	vadd.f32 v15, v2;
	v12 =	vld [tilespmem:s21+$0x38A0];
	s21 =	sshra.s32 s22, $0x2;
	s22 =	sadd.s32 $0x200, s22  }
0x74: {  	v13 =	vld [tilespmem:s21+$0x38B0]  }
0x75: {  	v14 =	vld [tilespmem:s21+$0x3840]  }
0x76: {  	v15 =	vld [tilespmem:s21+$0x3850]  }
0x77: {  	v16 =	vld [tilespmem:s21+$0x3860]  }
0x78: {  	v17 =	vld [tilespmem:s21+$0x3870]  }
0x79: {  	v18 =	vld [tilespmem:s21+$0x3880]  }
0x7a: {  	v3 =	vadd.f32 v5, v3;
	v5 =	vld [tilespmem:s21+$0x38A0]  }
0x7b: {  	v4 =	vadd.f32 v6, v4;
	v6 =	vadd.f32 v7, v10;
	v7 =	vld [tilespmem:s21+$0x3890]  }
0x7c: {  	v8 =	vadd.f32 v11, v8;
	v9 =	vadd.f32 v12, v9  }
0x7d: {  	v0 =	vadd.f32 v13, v0;
	v1 =	vadd.f32 v14, v1  }
0x7e: {  	v2 =	vadd.f32 v15, v2;
	v3 =	vadd.f32 v16, v3  }
0x7f: {  	v6 =	vadd.f32 v18, v6;
	v5 =	vadd.f32 v5, v9  }
0x80: {  	v4 =	vadd.f32 v17, v4;
	v7 =	vadd.f32 v7, v8  }
0x81: {  	v1 =	vadd.f32 v3, v1;
	v3 =	vadd.f32 v5, v6  }
0x82: {  	v2 =	vadd.f32 v4, v2;
	v0 =	vadd.f32 v0, v7  }
0x83: {  	v1 =	vadd.f32 v3, v1  }
0x84: {  	v0 =	vadd.f32 v0, v2  }
0x85: {  	[tilespmem:s20+$0xCE80] =	vst v1  }
0x86: {  	s23 =	simm.s32 $0x0;
	[tilespmem:s20+$0xCE90] =	vst v0  }
0x87: {  	v0 =	vld [tilespmem:s23+$0x51B0]  }
0x88: {  	v1 =	vld [tilespmem:s23+$0x5140]  }
0x89: {  	v2 =	vld [tilespmem:s23+$0x5150]  }
0x8a: {  	v5 =	vld [tilespmem:s23+$0x5160]  }
0x8b: {  	v6 =	vld [tilespmem:s23+$0x5170]  }
0x8c: {  	v10 =	vimm.f32 $0.0e+00;
	v3 =	vimm.f32 $0.0e+00;
	v7 =	vld [tilespmem:s23+$0x5180]  }
0x8d: {  	v9 =	vimm.f32 $0.0e+00;
	v4 =	vimm.f32 $0.0e+00;
	v11 =	vld [tilespmem:s23+$0x5190];
	v0 =	vadd.f32 v0, v3  }
0x8e: {  	s22 =	simm.s32 $0x400;
	s21 =	simm.s32 $0x80;
	v8 =	vimm.f32 $0.0e+00;
	v12 =	vld [tilespmem:s23+$0x51A0];
	v1 =	vadd.f32 v1, v3;
	v2 =	vadd.f32 v2, v3  }
.LBB2_9:
0x8f: {  	p0 =	sne.s32 s22, $0x6200;
	v13 =	vld [tilespmem:s21+$0x51B0];
	v3 =	vadd.f32 v5, v3  }
0x90: {  	v14 =	vld [tilespmem:s21+$0x5140];
	v4 =	vadd.f32 v6, v4  }
0x91: {  	v15 =	vld [tilespmem:s21+$0x5150];
	v10 =	vadd.f32 v7, v10  }
.Ltmp3:
0x92: {  	v5 =	vld [tilespmem:s21+$0x5160];
	v8 =	vadd.f32 v11, v8;
	(pc) =	sbr.rel @p0 .LBB2_9-.Ltmp3, $4  }
0x93: {  	v6 =	vld [tilespmem:s21+$0x5170];
	v9 =	vadd.f32 v12, v9  }
0x94: {  	v7 =	vld [tilespmem:s21+$0x5180];
	v0 =	vadd.f32 v13, v0  }
0x95: {  	v1 =	vadd.f32 v14, v1;
	v11 =	vld [tilespmem:s21+$0x5190]  }
0x96: {  	v2 =	vadd.f32 v15, v2;
	v12 =	vld [tilespmem:s21+$0x51A0];
	s21 =	sshra.s32 s22, $0x2;
	s22 =	sadd.s32 $0x200, s22  }
0x97: {  	v13 =	vld [tilespmem:s21+$0x51B0]  }
0x98: {  	v14 =	vld [tilespmem:s21+$0x5140]  }
0x99: {  	v15 =	vld [tilespmem:s21+$0x5150]  }
0x9a: {  	v16 =	vld [tilespmem:s21+$0x5160]  }
0x9b: {  	v17 =	vld [tilespmem:s21+$0x5170]  }
0x9c: {  	v18 =	vld [tilespmem:s21+$0x5180]  }
0x9d: {  	v3 =	vadd.f32 v5, v3;
	v5 =	vld [tilespmem:s21+$0x51A0]  }
0x9e: {  	v4 =	vadd.f32 v6, v4;
	v6 =	vadd.f32 v7, v10;
	v7 =	vld [tilespmem:s21+$0x5190]  }
0x9f: {  	v8 =	vadd.f32 v11, v8;
	v9 =	vadd.f32 v12, v9  }
0xa0: {  	v0 =	vadd.f32 v13, v0;
	v1 =	vadd.f32 v14, v1  }
0xa1: {  	v2 =	vadd.f32 v15, v2;
	v3 =	vadd.f32 v16, v3  }
0xa2: {  	v6 =	vadd.f32 v18, v6;
	v5 =	vadd.f32 v5, v9  }
0xa3: {  	v4 =	vadd.f32 v17, v4;
	v7 =	vadd.f32 v7, v8  }
0xa4: {  	p0 =	seq.s32 s18, $0x3F;
	v1 =	vadd.f32 v3, v1;
	v3 =	vadd.f32 v5, v6  }
0xa5: {  	s21 =	smul.u32 @!p0 $0x640, s18;
	v2 =	vadd.f32 v4, v2;
	v0 =	vadd.f32 v0, v7  }
0xa6: {  	v1 =	vadd.f32 v3, v1  }
0xa7: {  	s21 =	sadd.s32 @!p0 s21, s7;
	v0 =	vadd.f32 v0, v2  }
0xa8: {  	s21 =	sshrl.u32 @!p0 s21, $0x3;
	[tilespmem:s20+$0xCEA0] =	vst v1  }
0xa9: {  	[tilespmem:s20+$0xCEB0] =	vst v0;
	s20 =	sadd.s32 @!p0 s3, s21;
	s21 =	simm.s32 @!p0 $0x0  }
0xaa: {  	[tilespmem:s21], [sflag:$0x3] =	stream.linear.gather @!p0 [hbm4b:s20+s21], $0x320, $0x38;
	[tilespmem:$0x10E40] =	vst v63  }
0xab: {  	s20 =	simm.s32 @!p0 $0x3  }
0xac: {  	_ =	swait.ge @!p0 [sflag:s20], $0x320  }
0xad: {  	[sflag:s20] =	ssyncset.done @!p0 $0x0  }
0xae: {  	s22 =	simm.s32 @!p0 $0x640;
	[sflag:s20] =	ssyncadd.s32 @!p0 $0xFFFFFCE0;
	s20 =	simm.s32 @!p0 $0x320  }
0xaf: {  	[tilespmem:s22], [sflag:$0x1] =	stream.indirect.gather @!p0 [hbm4b:s5+s20], $0x20, s21, s20, $0xb8;
	[tilespmem:$0x10E40] =	vst v63  }
0xb0: {  	_ =	swait.ge [sflag:s15], $0x6400  }
0xb1: {  	[sflag:s15] =	ssyncset.done $0x0  }
0xb2: {  	s31 =	simm.s32 $0x0;
	[sflag:s15] =	ssyncadd.s32 $0xFFFF9C00  }
0xb3: {  	v0 =	vld [tilespmem:s31+$0x6AB0]  }
0xb4: {  	v1 =	vld [tilespmem:s31+$0x6A40]  }
0xb5: {  	v2 =	vld [tilespmem:s31+$0x6A50]  }
0xb6: {  	v5 =	vld [tilespmem:s31+$0x6A60]  }
0xb7: {  	v6 =	vld [tilespmem:s31+$0x6A70]  }
0xb8: {  	v10 =	vimm.f32 $0.0e+00;
	v3 =	vimm.f32 $0.0e+00;
	v7 =	vld [tilespmem:s31+$0x6A80]  }
0xb9: {  	v9 =	vimm.f32 $0.0e+00;
	v4 =	vimm.f32 $0.0e+00;
	v11 =	vld [tilespmem:s31+$0x6A90];
	v0 =	vadd.f32 v0, v3  }
0xba: {  	v8 =	vimm.f32 $0.0e+00;
	s20 =	simm.s32 $0x80;
	s21 =	simm.s32 $0x400;
	v12 =	vld [tilespmem:s31+$0x6AA0];
	v1 =	vadd.f32 v1, v3;
	v2 =	vadd.f32 v2, v3  }
.LBB2_11:
0xbb: {  	p0 =	sne.s32 s21, $0x6200;
	v13 =	vld [tilespmem:s20+$0x6AB0];
	v3 =	vadd.f32 v5, v3  }
0xbc: {  	v14 =	vld [tilespmem:s20+$0x6A40];
	v4 =	vadd.f32 v6, v4  }
0xbd: {  	v15 =	vld [tilespmem:s20+$0x6A50];
	v10 =	vadd.f32 v7, v10  }
.Ltmp4:
0xbe: {  	v5 =	vld [tilespmem:s20+$0x6A60];
	v8 =	vadd.f32 v11, v8;
	(pc) =	sbr.rel @p0 .LBB2_11-.Ltmp4, $4  }
0xbf: {  	v6 =	vld [tilespmem:s20+$0x6A70];
	v9 =	vadd.f32 v12, v9  }
0xc0: {  	v7 =	vld [tilespmem:s20+$0x6A80];
	v0 =	vadd.f32 v13, v0  }
0xc1: {  	v1 =	vadd.f32 v14, v1;
	v11 =	vld [tilespmem:s20+$0x6A90]  }
0xc2: {  	v2 =	vadd.f32 v15, v2;
	v12 =	vld [tilespmem:s20+$0x6AA0];
	s20 =	sshra.s32 s21, $0x2;
	s21 =	sadd.s32 $0x200, s21  }
0xc3: {  	v13 =	vld [tilespmem:s20+$0x6AB0]  }
0xc4: {  	v14 =	vld [tilespmem:s20+$0x6A40]  }
0xc5: {  	v15 =	vld [tilespmem:s20+$0x6A50]  }
0xc6: {  	v16 =	vld [tilespmem:s20+$0x6A60]  }
0xc7: {  	v17 =	vld [tilespmem:s20+$0x6A70]  }
0xc8: {  	v18 =	vld [tilespmem:s20+$0x6A80]  }
0xc9: {  	v3 =	vadd.f32 v5, v3;
	v5 =	vld [tilespmem:s20+$0x6AA0]  }
0xca: {  	v4 =	vadd.f32 v6, v4;
	v6 =	vadd.f32 v7, v10;
	v7 =	vld [tilespmem:s20+$0x6A90]  }
0xcb: {  	v8 =	vadd.f32 v11, v8;
	v9 =	vadd.f32 v12, v9  }
0xcc: {  	v0 =	vadd.f32 v13, v0;
	v1 =	vadd.f32 v14, v1  }
0xcd: {  	v2 =	vadd.f32 v15, v2;
	v3 =	vadd.f32 v16, v3  }
0xce: {  	v6 =	vadd.f32 v18, v6;
	v5 =	vadd.f32 v5, v9  }
0xcf: {  	v4 =	vadd.f32 v17, v4;
	v7 =	vadd.f32 v7, v8  }
0xd0: {  	v1 =	vadd.f32 v3, v1;
	v3 =	vadd.f32 v5, v6  }
0xd1: {  	v2 =	vadd.f32 v4, v2;
	v0 =	vadd.f32 v0, v7  }
0xd2: {  	s19 =	sshll.u32 s19, $0x7;
	v1 =	vadd.f32 v3, v1  }
0xd3: {  	s19 =	sand.u32 $0x3FFFFF80, s19;
	v0 =	vadd.f32 v0, v2  }
0xd4: {  	[tilespmem:s19+$0xCE40] =	vst v1  }
0xd5: {  	s22 =	simm.s32 $0x0;
	[tilespmem:s19+$0xCE50] =	vst v0  }
0xd6: {  	v0 =	vld [tilespmem:s22+$0x83B0]  }
0xd7: {  	v1 =	vld [tilespmem:s22+$0x8340]  }
0xd8: {  	v2 =	vld [tilespmem:s22+$0x8350]  }
0xd9: {  	v5 =	vld [tilespmem:s22+$0x8360]  }
0xda: {  	v6 =	vld [tilespmem:s22+$0x8370]  }
0xdb: {  	v10 =	vimm.f32 $0.0e+00;
	v3 =	vimm.f32 $0.0e+00;
	v7 =	vld [tilespmem:s22+$0x8380]  }
0xdc: {  	v9 =	vimm.f32 $0.0e+00;
	v4 =	vimm.f32 $0.0e+00;
	v11 =	vld [tilespmem:s22+$0x8390];
	v0 =	vadd.f32 v0, v3  }
0xdd: {  	s21 =	simm.s32 $0x400;
	s20 =	simm.s32 $0x80;
	v8 =	vimm.f32 $0.0e+00;
	v12 =	vld [tilespmem:s22+$0x83A0];
	v1 =	vadd.f32 v1, v3;
	v2 =	vadd.f32 v2, v3  }
.LBB2_13:
0xde: {  	p0 =	sne.s32 s21, $0x6200;
	v13 =	vld [tilespmem:s20+$0x83B0];
	v3 =	vadd.f32 v5, v3  }
0xdf: {  	v14 =	vld [tilespmem:s20+$0x8340];
	v4 =	vadd.f32 v6, v4  }
0xe0: {  	v15 =	vld [tilespmem:s20+$0x8350];
	v10 =	vadd.f32 v7, v10  }
.Ltmp5:
0xe1: {  	v5 =	vld [tilespmem:s20+$0x8360];
	v8 =	vadd.f32 v11, v8;
	(pc) =	sbr.rel @p0 .LBB2_13-.Ltmp5, $4  }
0xe2: {  	v6 =	vld [tilespmem:s20+$0x8370];
	v9 =	vadd.f32 v12, v9  }
0xe3: {  	v7 =	vld [tilespmem:s20+$0x8380];
	v0 =	vadd.f32 v13, v0  }
0xe4: {  	v1 =	vadd.f32 v14, v1;
	v11 =	vld [tilespmem:s20+$0x8390]  }
0xe5: {  	v2 =	vadd.f32 v15, v2;
	v12 =	vld [tilespmem:s20+$0x83A0];
	s20 =	sshra.s32 s21, $0x2;
	s21 =	sadd.s32 $0x200, s21  }
0xe6: {  	v13 =	vld [tilespmem:s20+$0x83B0]  }
0xe7: {  	v14 =	vld [tilespmem:s20+$0x8340]  }
0xe8: {  	v15 =	vld [tilespmem:s20+$0x8350]  }
0xe9: {  	v16 =	vld [tilespmem:s20+$0x8360]  }
0xea: {  	v17 =	vld [tilespmem:s20+$0x8370]  }
0xeb: {  	v18 =	vld [tilespmem:s20+$0x8380]  }
0xec: {  	v3 =	vadd.f32 v5, v3;
	v5 =	vld [tilespmem:s20+$0x83A0]  }
0xed: {  	v4 =	vadd.f32 v6, v4;
	v6 =	vadd.f32 v7, v10;
	v7 =	vld [tilespmem:s20+$0x8390]  }
0xee: {  	v8 =	vadd.f32 v11, v8;
	v9 =	vadd.f32 v12, v9  }
0xef: {  	v0 =	vadd.f32 v13, v0;
	v1 =	vadd.f32 v14, v1  }
0xf0: {  	v2 =	vadd.f32 v15, v2;
	v3 =	vadd.f32 v16, v3  }
0xf1: {  	v6 =	vadd.f32 v18, v6;
	v5 =	vadd.f32 v5, v9  }
0xf2: {  	v4 =	vadd.f32 v17, v4;
	v7 =	vadd.f32 v7, v8  }
0xf3: {  	v1 =	vadd.f32 v3, v1;
	v3 =	vadd.f32 v5, v6  }
0xf4: {  	v2 =	vadd.f32 v4, v2;
	v0 =	vadd.f32 v0, v7  }
0xf5: {  	v1 =	vadd.f32 v3, v1  }
0xf6: {  	v0 =	vadd.f32 v0, v2  }
0xf7: {  	[tilespmem:s19+$0xCE60] =	vst v1  }
0xf8: {  	s22 =	simm.s32 $0x0;
	[tilespmem:s19+$0xCE70] =	vst v0  }
0xf9: {  	v0 =	vld [tilespmem:s22+$0x9CB0]  }
0xfa: {  	v1 =	vld [tilespmem:s22+$0x9C40]  }
0xfb: {  	v2 =	vld [tilespmem:s22+$0x9C50]  }
0xfc: {  	v5 =	vld [tilespmem:s22+$0x9C60]  }
0xfd: {  	v6 =	vld [tilespmem:s22+$0x9C70]  }
0xfe: {  	v10 =	vimm.f32 $0.0e+00;
	v3 =	vimm.f32 $0.0e+00;
	v7 =	vld [tilespmem:s22+$0x9C80]  }
0xff: {  	v9 =	vimm.f32 $0.0e+00;
	v4 =	vimm.f32 $0.0e+00;
	v11 =	vld [tilespmem:s22+$0x9C90];
	v0 =	vadd.f32 v0, v3  }
0x100: {  	s21 =	simm.s32 $0x400;
	s20 =	simm.s32 $0x80;
	v8 =	vimm.f32 $0.0e+00;
	v12 =	vld [tilespmem:s22+$0x9CA0];
	v1 =	vadd.f32 v1, v3;
	v2 =	vadd.f32 v2, v3  }
.LBB2_15:
0x101: {  	p0 =	sne.s32 s21, $0x6200;
	v13 =	vld [tilespmem:s20+$0x9CB0];
	v3 =	vadd.f32 v5, v3  }
0x102: {  	v14 =	vld [tilespmem:s20+$0x9C40];
	v4 =	vadd.f32 v6, v4  }
0x103: {  	v15 =	vld [tilespmem:s20+$0x9C50];
	v10 =	vadd.f32 v7, v10  }
.Ltmp6:
0x104: {  	v5 =	vld [tilespmem:s20+$0x9C60];
	v8 =	vadd.f32 v11, v8;
	(pc) =	sbr.rel @p0 .LBB2_15-.Ltmp6, $4  }
0x105: {  	v6 =	vld [tilespmem:s20+$0x9C70];
	v9 =	vadd.f32 v12, v9  }
0x106: {  	v7 =	vld [tilespmem:s20+$0x9C80];
	v0 =	vadd.f32 v13, v0  }
0x107: {  	v1 =	vadd.f32 v14, v1;
	v11 =	vld [tilespmem:s20+$0x9C90]  }
0x108: {  	v2 =	vadd.f32 v15, v2;
	v12 =	vld [tilespmem:s20+$0x9CA0];
	s20 =	sshra.s32 s21, $0x2;
	s21 =	sadd.s32 $0x200, s21  }
0x109: {  	v13 =	vld [tilespmem:s20+$0x9CB0]  }
0x10a: {  	v14 =	vld [tilespmem:s20+$0x9C40]  }
0x10b: {  	v15 =	vld [tilespmem:s20+$0x9C50]  }
0x10c: {  	v16 =	vld [tilespmem:s20+$0x9C60]  }
0x10d: {  	v17 =	vld [tilespmem:s20+$0x9C70]  }
0x10e: {  	v18 =	vld [tilespmem:s20+$0x9C80]  }
0x10f: {  	v3 =	vadd.f32 v5, v3;
	v5 =	vld [tilespmem:s20+$0x9CA0]  }
0x110: {  	v4 =	vadd.f32 v6, v4;
	v6 =	vadd.f32 v7, v10;
	v7 =	vld [tilespmem:s20+$0x9C90]  }
0x111: {  	v8 =	vadd.f32 v11, v8;
	v9 =	vadd.f32 v12, v9  }
0x112: {  	v0 =	vadd.f32 v13, v0;
	v1 =	vadd.f32 v14, v1  }
0x113: {  	v2 =	vadd.f32 v15, v2;
	v3 =	vadd.f32 v16, v3  }
0x114: {  	v6 =	vadd.f32 v18, v6;
	v5 =	vadd.f32 v5, v9  }
0x115: {  	v4 =	vadd.f32 v17, v4;
	v7 =	vadd.f32 v7, v8  }
0x116: {  	v1 =	vadd.f32 v3, v1;
	v3 =	vadd.f32 v5, v6  }
0x117: {  	v2 =	vadd.f32 v4, v2;
	v0 =	vadd.f32 v0, v7  }
0x118: {  	v1 =	vadd.f32 v3, v1  }
0x119: {  	v0 =	vadd.f32 v0, v2  }
0x11a: {  	[tilespmem:s19+$0xCE80] =	vst v1  }
0x11b: {  	s22 =	simm.s32 $0x0;
	[tilespmem:s19+$0xCE90] =	vst v0  }
0x11c: {  	v0 =	vld [tilespmem:s22+$0xB5B0]  }
0x11d: {  	v1 =	vld [tilespmem:s22+$0xB540]  }
0x11e: {  	v2 =	vld [tilespmem:s22+$0xB550]  }
0x11f: {  	v5 =	vld [tilespmem:s22+$0xB560]  }
0x120: {  	v6 =	vld [tilespmem:s22+$0xB570]  }
0x121: {  	v10 =	vimm.f32 $0.0e+00;
	v3 =	vimm.f32 $0.0e+00;
	v7 =	vld [tilespmem:s22+$0xB580]  }
0x122: {  	v9 =	vimm.f32 $0.0e+00;
	v4 =	vimm.f32 $0.0e+00;
	v11 =	vld [tilespmem:s22+$0xB590];
	v0 =	vadd.f32 v0, v3  }
0x123: {  	s21 =	simm.s32 $0x400;
	s20 =	simm.s32 $0x80;
	v8 =	vimm.f32 $0.0e+00;
	v12 =	vld [tilespmem:s22+$0xB5A0];
	v1 =	vadd.f32 v1, v3;
	v2 =	vadd.f32 v2, v3  }
.LBB2_17:
0x124: {  	p0 =	sne.s32 s21, $0x6200;
	v13 =	vld [tilespmem:s20+$0xB5B0];
	v3 =	vadd.f32 v5, v3  }
0x125: {  	v14 =	vld [tilespmem:s20+$0xB540];
	v4 =	vadd.f32 v6, v4  }
0x126: {  	v15 =	vld [tilespmem:s20+$0xB550];
	v10 =	vadd.f32 v7, v10  }
.Ltmp7:
0x127: {  	v5 =	vld [tilespmem:s20+$0xB560];
	v8 =	vadd.f32 v11, v8;
	(pc) =	sbr.rel @p0 .LBB2_17-.Ltmp7, $4  }
0x128: {  	v6 =	vld [tilespmem:s20+$0xB570];
	v9 =	vadd.f32 v12, v9  }
0x129: {  	v7 =	vld [tilespmem:s20+$0xB580];
	v0 =	vadd.f32 v13, v0  }
0x12a: {  	v1 =	vadd.f32 v14, v1;
	v11 =	vld [tilespmem:s20+$0xB590]  }
0x12b: {  	v2 =	vadd.f32 v15, v2;
	v12 =	vld [tilespmem:s20+$0xB5A0];
	s20 =	sshra.s32 s21, $0x2;
	s21 =	sadd.s32 $0x200, s21  }
0x12c: {  	v13 =	vld [tilespmem:s20+$0xB5B0]  }
0x12d: {  	v14 =	vld [tilespmem:s20+$0xB540]  }
0x12e: {  	v15 =	vld [tilespmem:s20+$0xB550]  }
0x12f: {  	v16 =	vld [tilespmem:s20+$0xB560]  }
0x130: {  	v17 =	vld [tilespmem:s20+$0xB570]  }
0x131: {  	v18 =	vld [tilespmem:s20+$0xB580]  }
0x132: {  	v3 =	vadd.f32 v5, v3;
	v62 =	vld [tilespmem:s20+$0xB590]  }
0x133: {  	v60 =	vld [tilespmem:s20+$0xB5A0];
	v4 =	vadd.f32 v6, v4;
	v61 =	vadd.f32 v7, v10  }
0x134: {  	v8 =	vadd.f32 v11, v8;
	v9 =	vadd.f32 v12, v9  }
0x135: {  	v0 =	vadd.f32 v13, v0;
	v1 =	vadd.f32 v14, v1  }
0x136: {  	v2 =	vadd.f32 v15, v2;
	v3 =	vadd.f32 v16, v3  }
0x137: {  	v4 =	vadd.f32 v17, v4;
	v7 =	vadd.f32 v62, v8  }
0x138: {  	s18 =	sadd.s32 $0x1, s18;
	v6 =	vadd.f32 v18, v61;
	v5 =	vadd.f32 v60, v9  }
0x139: {  	p0 =	sne.s32 s18, $0x40;
	v2 =	vadd.f32 v4, v2;
	v0 =	vadd.f32 v0, v7  }
.Ltmp8:
0x13a: {  	v1 =	vadd.f32 v3, v1;
	v63 =	vadd.f32 v5, v6;
	(pc) =	sbr.rel @p0 .LBB2_2-.Ltmp8, $4  }
0x13b: {  	v0 =	vadd.f32 v0, v2  }
0x13c: {  	v1 =	vadd.f32 v63, v1  }
0x13d: {  	[tilespmem:s19+$0xCEB0] =	vst v0  }
0x13e: {  	[tilespmem:s19+$0xCEA0] =	vst v1  }
0x13f: {  	s17 =	sadd.s32 $0x1, s17  }
0x140: {  	p0 =	sne.s32 s17, s9  }
.Ltmp9:
0x141: {  	_ = 	snop;
	(pc) =	sbr.rel @p0 .LBB2_1-.Ltmp9, $4  }
0x142: {  	[hbm4b:s8+s2] =	stream.linear.scatter [tilespmem:s16], [sflag:$0x3], $0x4000, $0x38;
	[tilespmem:$0x10E40] =	vst v63  }
0x143: {  	_ =	swait.ge [sflag:s10], $0x4000  }
0x144: {  	[sflag:s10] =	ssyncset.done $0x0  }
0x145: {  	[sflag:s10] =	ssyncadd.s32 $0xFFFFC000  }
0x146: {  	_ =	sfence.sel $0x180000  }
0x147: {  	[bflag:$0x0] =	sbarrier.arrive $0xFFFF  }
0x148: {  	p0 =	sne.s32 s1, $0x0;
	_ =	strace $0x90000047  }
0x149: {  	s0 =	sadd.s32 @!p0 $0x100000, s0;
	[bflag:$0x2] =	sbarrier.arrive $0xFFFF  }
0x14a: {  	[sflag:s0] =	ssyncadd.tile.s32 @!p0 $0x1;
	_ =	shalt  }
.Lfunc_end2:
_tile_overlayer_lowered:
.L_overlay_start_2:
0x14b: {  	(tag) =	ssettag $0x2  }
0x14c: {  	s0 =	rddreg [dreg:$0x0];
	s2 =	stileid.u32  }
0x14d: {  	s1 =	rddreg [dreg:$0x1];
	p0 =	sne.s32 s2, $0x0  }
0x14e: {  	s3 =	rddreg [dreg:$0x2];
	[bflag:$0x3] =	sbarrier.arrive $0xFFFF;
	s2 =	simm.s32 @!p0 $0x1C03  }
0x14f: {  	[timem:s3], [sflag:s2] =	dma.local @!p0 [hbm:s0], s1  }
0x150: {  	s0 =	simm.s32 @!p0 $0x3  }
0x151: {  	_ =	swait.ge @!p0 [sflag:s0], s1  }
0x152: {  	s1 =	ssub.s32 @!p0 $0x0, s1;
	[sflag:s0] =	ssyncset.done @!p0 $0x0  }
0x153: {  	[sflag:s0] =	ssyncadd.s32 @!p0 s1  }
0x154: {  	[bflag:$0x3] =	sbarrier.arrive $0xFFFF  }
0x155: {  	_ =	shalt  }

</sc_bundles>
